<compile_context>
chip_gen: v7x
topology: tpu7x:2x2x1
jax: 0.10.2.dev20260603
libtpu: 0.0.44.dev20260713+nightly
codegen_flags: <defaults>
</compile_context>

<pallas_src>
import functools

import jax
import jax.numpy as jnp
from jax import lax
from jax.experimental import pallas as pl
from jax.experimental.pallas import tpu as pltpu
from jax.experimental.pallas import tpu_sc as plsc

N = 10000
E = 320000
D = 128
C = 64

NC = 2
NS = 16
NW = NC * NS
EPT = E // NW
CHB = 120
CHN = 84
EPT_PAD = CHB * CHN

DEG_W = 128
DEG_PAD = 10240
DEG_ROWS = DEG_PAD // NS
ACC_PAD = 10240
ACC_ROWS = ACC_PAD // NS

ROW_BLK = 1000
GRID = N // ROW_BLK


def _mesh():
    return plsc.VectorSubcoreMesh(core_axis_name="c", subcore_axis_name="s")


def _sc_degree(dstp, ones_h, zeros_h):

    @functools.partial(
        pl.kernel,
        mesh=_mesh(),
        out_type=jax.ShapeDtypeStruct((2 * DEG_PAD, DEG_W), jnp.float32),
        scratch_types=[
            pltpu.VMEM((CHB,), jnp.int32),
            pltpu.VMEM((CHB,), jnp.int32),
            pltpu.VMEM((CHB, DEG_W), jnp.float32),
            pltpu.VMEM_SHARED((DEG_PAD, DEG_W), jnp.float32),
            pltpu.SemaphoreType.DMA,
            pltpu.SemaphoreType.DMA,
        ],
    )
    def k(dst_hbm, ones_hbm, zeros_hbm, out_hbm, didx0, didx1, ones_v,
          deg_sh, isem0, isem1):
        didx = (didx0, didx1)
        isem = (isem0, isem1)
        c = lax.axis_index("c")
        s = lax.axis_index("s")
        wid = s * NC + c
        pltpu.sync_copy(zeros_hbm.at[pl.ds(s * DEG_ROWS, DEG_ROWS)],
                        deg_sh.at[pl.ds(s * DEG_ROWS, DEG_ROWS)])
        pltpu.sync_copy(ones_hbm, ones_v)

        def i_start(b, cc):
            pltpu.async_copy(dst_hbm.at[wid, cc], didx[b], isem[b])

        def i_wait(b):
            pltpu.make_async_copy(dst_hbm.at[wid, 0], didx[b], isem[b]).wait()

        plsc.subcore_barrier()
        i_start(0, 0)
        i_start(1, 1)

        def chunk(b, cc, prefetch):
            i_wait(b)
            pltpu.sync_copy(ones_v, deg_sh.at[didx[b]], add=True)
            if prefetch:
                i_start(b, cc + 2)

        def body(i, carry):
            chunk(0, 2 * i, True)
            chunk(1, 2 * i + 1, True)
            return carry

        lax.fori_loop(0, CHN // 2 - 1, body, 0)
        chunk(0, CHN - 2, False)
        chunk(1, CHN - 1, False)
        plsc.subcore_barrier()
        pltpu.sync_copy(deg_sh.at[pl.ds(s * DEG_ROWS, DEG_ROWS)],
                        out_hbm.at[pl.ds(c * DEG_PAD + s * DEG_ROWS, DEG_ROWS)])

    return k(dstp, ones_h, zeros_h)


def _sc_scatter(srcp, dstp, g, zeros2d):

    @functools.partial(
        pl.kernel,
        mesh=_mesh(),
        out_type=jax.ShapeDtypeStruct((2 * ACC_PAD, D), jnp.float32),
        scratch_types=[
            pltpu.VMEM((CHB,), jnp.int32),
            pltpu.VMEM((CHB,), jnp.int32),
            pltpu.VMEM((CHB,), jnp.int32),
            pltpu.VMEM((CHB,), jnp.int32),
            pltpu.VMEM((CHB, D), jnp.float32),
            pltpu.VMEM_SHARED((ACC_PAD, D), jnp.float32),
            pltpu.SemaphoreType.DMA,
            pltpu.SemaphoreType.DMA,
        ],
    )
    def k(src_hbm, dst_hbm, g_hbm, zeros_hbm, out_hbm,
          sidx0, sidx1, didx0, didx1, rows, acc, isem0, isem1):
        sidx = (sidx0, sidx1)
        didx = (didx0, didx1)
        isem = (isem0, isem1)
        c = lax.axis_index("c")
        s = lax.axis_index("s")
        wid = s * NC + c
        pltpu.sync_copy(zeros_hbm.at[pl.ds(s * ACC_ROWS, ACC_ROWS)],
                        acc.at[pl.ds(s * ACC_ROWS, ACC_ROWS)])

        def i_start(b, cc):
            pltpu.async_copy(src_hbm.at[wid, cc], sidx[b], isem[b])
            pltpu.async_copy(dst_hbm.at[wid, cc], didx[b], isem[b])

        def i_wait(b):
            pltpu.make_async_copy(src_hbm.at[wid, 0], sidx[b], isem[b]).wait()
            pltpu.make_async_copy(dst_hbm.at[wid, 0], didx[b], isem[b]).wait()

        plsc.subcore_barrier()

        i_start(0, 0)
        i_start(1, 1)

        def chunk(b, cc, prefetch):
            i_wait(b)
            pltpu.sync_copy(g_hbm.at[sidx[b]], rows)
            pltpu.sync_copy(rows, acc.at[didx[b]], add=True)
            if prefetch:
                i_start(b, cc + 2)

        def body(i, carry):
            chunk(0, 2 * i, True)
            chunk(1, 2 * i + 1, True)
            return carry

        lax.fori_loop(0, CHN // 2 - 1, body, 0)
        chunk(0, CHN - 2, False)
        chunk(1, CHN - 1, False)
        plsc.subcore_barrier()
        pltpu.sync_copy(acc.at[pl.ds(s * ACC_ROWS, ACC_ROWS)],
                        out_hbm.at[pl.ds(c * ACC_PAD + s * ACC_ROWS, ACC_ROWS)])

    return k(srcp, dstp, g, zeros2d)


def _tc_g(x, w, dga, dgb):

    def body(x_ref, w_ref, a_ref, b_ref, o_ref):
        dis = lax.rsqrt(a_ref[...] + b_ref[...] + 1.0)
        h = jnp.dot(x_ref[...], w_ref[...], preferred_element_type=jnp.float32)
        o_ref[...] = h * dis

    return pl.pallas_call(
        body,
        grid=(GRID,),
        in_specs=[
            pl.BlockSpec((ROW_BLK, D), lambda i: (i, 0)),
            pl.BlockSpec((D, D), lambda i: (0, 0)),
            pl.BlockSpec((ROW_BLK, 1), lambda i: (i, 0)),
            pl.BlockSpec((ROW_BLK, 1), lambda i: (i, 0)),
        ],
        out_specs=pl.BlockSpec((ROW_BLK, D), lambda i: (i, 0)),
        out_shape=jax.ShapeDtypeStruct((N, D), jnp.float32),
    )(x, w, dga, dgb)


def _tc_final(acc_a, acc_b, g, x, dga, dgb, b_conv, ln_g, ln_b, w_fc, b_fc):

    def body(a_ref, b_ref, g_ref, x_ref, da_ref, db_ref, bc_ref, lg_ref,
             lb_ref, wf_ref, bf_ref, o_ref):
        dis = lax.rsqrt(da_ref[...] + db_ref[...] + 1.0)
        conv = (a_ref[...] + b_ref[...] + g_ref[...]) * dis + bc_ref[...]
        mu = jnp.mean(conv, axis=-1, keepdims=True)
        cen = conv - mu
        var = jnp.mean(cen * cen, axis=-1, keepdims=True)
        ln = cen * lax.rsqrt(var + 1e-5) * lg_ref[...] + lb_ref[...]
        h = jnp.maximum(ln, 0.0) * x_ref[...]
        o_ref[...] = (jnp.dot(h, wf_ref[...], preferred_element_type=jnp.float32)
                      + bf_ref[...])

    return pl.pallas_call(
        body,
        grid=(GRID,),
        in_specs=[
            pl.BlockSpec((ROW_BLK, D), lambda i: (i, 0)),
            pl.BlockSpec((ROW_BLK, D), lambda i: (i, 0)),
            pl.BlockSpec((ROW_BLK, D), lambda i: (i, 0)),
            pl.BlockSpec((ROW_BLK, D), lambda i: (i, 0)),
            pl.BlockSpec((ROW_BLK, 1), lambda i: (i, 0)),
            pl.BlockSpec((ROW_BLK, 1), lambda i: (i, 0)),
            pl.BlockSpec((1, D), lambda i: (0, 0)),
            pl.BlockSpec((1, D), lambda i: (0, 0)),
            pl.BlockSpec((1, D), lambda i: (0, 0)),
            pl.BlockSpec((D, C), lambda i: (0, 0)),
            pl.BlockSpec((1, C), lambda i: (0, 0)),
        ],
        out_specs=pl.BlockSpec((ROW_BLK, C), lambda i: (i, 0)),
        out_shape=jax.ShapeDtypeStruct((N, C), jnp.float32),
    )(acc_a, acc_b, g, x, dga, dgb, b_conv, ln_g, ln_b, w_fc, b_fc)


def kernel(x, edge_index, W_conv, b_conv, ln_g, ln_b, W_fc, b_fc):
    ei = edge_index.astype(jnp.int32)
    src = ei[0]
    dst = ei[1]

    pad = EPT_PAD - EPT
    srcp = jnp.pad(src.reshape(NW, EPT), ((0, 0), (0, pad)),
                   constant_values=0).reshape(NW, CHN, CHB)
    dstp = jnp.pad(dst.reshape(NW, EPT), ((0, 0), (0, pad)),
                   constant_values=N).reshape(NW, CHN, CHB)

    zeros_acc = jnp.zeros((ACC_PAD, D), jnp.float32)
    ones_h = jnp.ones((CHB, DEG_W), jnp.float32)
    deg2 = _sc_degree(dstp, ones_h, zeros_acc)
    dga = deg2[:N, 0:1]
    dgb = deg2[DEG_PAD:DEG_PAD + N, 0:1]

    g = _tc_g(x, W_conv, dga, dgb)

    acc2 = _sc_scatter(srcp, dstp, g, zeros_acc)

    return _tc_final(acc2[:N], acc2[ACC_PAD:ACC_PAD + N], g, x, dga, dgb,
                     b_conv.reshape(1, D), ln_g.reshape(1, D),
                     ln_b.reshape(1, D), W_fc, b_fc.reshape(1, C))

# --- scband reference (transcript-rebuilt; emitter-appended) ---
"""Pipeline reference for scband-gcnn-dot-product-3324304687692 (READ-ONLY COPY).

The authoritative reference and input builder live on the scoring server;
editing this copy changes nothing except your own understanding.
"""

import jax, jax.numpy as jnp
import numpy as np

N_NODES = 10000
N_EDGES = 320000
D_IN = 128
N_CLASSES = 64


def setup_inputs(seed: int = 0) -> dict:
    key = jax.random.key(seed)
    ks = jax.random.split(key, 8)
    x = jax.random.normal(ks[0], (N_NODES, D_IN), dtype=jnp.float32)
    edge_index = jax.random.randint(ks[1], (2, N_EDGES), 0, N_NODES, dtype=jnp.int64)
    # GCNConv params (PyG: lin weight [out,in] applied as x @ W.T; we store W as [in,out])
    W_conv = jax.random.normal(ks[2], (D_IN, D_IN), dtype=jnp.float32) * (1.0 / np.sqrt(D_IN))
    b_conv = jnp.zeros((D_IN,), dtype=jnp.float32)
    # LayerNorm params
    ln_g = jnp.ones((D_IN,), dtype=jnp.float32)
    ln_b = jnp.zeros((D_IN,), dtype=jnp.float32)
    # Final linear
    W_fc = jax.random.normal(ks[3], (D_IN, N_CLASSES), dtype=jnp.float32) * (1.0 / np.sqrt(D_IN))
    b_fc = jnp.zeros((N_CLASSES,), dtype=jnp.float32)
    return {"x": x, "edge_index": edge_index, "W_conv": W_conv, "b_conv": b_conv,
            "ln_g": ln_g, "ln_b": ln_b, "W_fc": W_fc, "b_fc": b_fc}


def _gcn_conv(x, edge_index, W, b):
    # PyG GCNConv with add_self_loops=True, normalize=True (symmetric norm)
    N = x.shape[0]
    loop = jnp.arange(N, dtype=edge_index.dtype)
    src = jnp.concatenate([edge_index[0], loop])
    dst = jnp.concatenate([edge_index[1], loop])
    ew = jnp.ones(src.shape[0], dtype=x.dtype)
    deg = jnp.zeros((N,), dtype=x.dtype).at[dst].add(ew)
    deg_inv_sqrt = jnp.where(deg > 0, 1.0 / jnp.sqrt(deg), 0.0)
    norm = deg_inv_sqrt[src] * deg_inv_sqrt[dst]
    h = x @ W
    msgs = h[src] * norm[:, None]
    out = jnp.zeros((N, h.shape[1]), dtype=x.dtype).at[dst].add(msgs)
    return out + b


def _layer_norm(x, g, b, eps=1e-5):
    mu = jnp.mean(x, axis=-1, keepdims=True)
    var = jnp.mean((x - mu) ** 2, axis=-1, keepdims=True)
    return (x - mu) / jnp.sqrt(var + eps) * g + b


def reference(x, edge_index, W_conv, b_conv, ln_g, ln_b, W_fc, b_fc):
    original_input = x
    h = _gcn_conv(x, edge_index, W_conv, b_conv)
    h = _layer_norm(h, ln_g, ln_b)
    h = jax.nn.relu(h)
    # dropout: identity in eval mode
    h = h * original_input
    out = h @ W_fc + b_fc
    return out

if __name__ == "__main__":
    import jax
    _d = setup_inputs()
    print(jax.jit(kernel)(*tuple(_d.values())))

</pallas_src>

<mosaic_0001>
#map = affine_map<(d0, d1) -> (0, 0, 0)>
#map1 = affine_map<(d0, d1) -> (0, 0)>
module attributes {stable_mosaic.version = 14 : i64} {
  func.func @k(%arg0: i32, %arg1: i32, %arg2: memref<32x84x120xi32, #tpu.memory_space<hbm>>, %arg3: memref<120x128xf32, #tpu.memory_space<hbm>>, %arg4: memref<10240x128xf32, #tpu.memory_space<hbm>>, %arg5: memref<20480x128xf32, #tpu.memory_space<hbm>>, %arg6: memref<120xi32, #tpu.memory_space<vmem>>, %arg7: memref<120xi32, #tpu.memory_space<vmem>>, %arg8: memref<120x128xf32, #tpu.memory_space<vmem>>, %arg9: memref<10240x128xf32, #tpu.memory_space<vmem_shared>>, %arg10: memref<!tpu.dma_semaphore, #tpu.memory_space<semaphore_mem>>, %arg11: memref<!tpu.dma_semaphore, #tpu.memory_space<semaphore_mem>>) attributes {dimension_semantics = [#tpu.dimension_semantics<core_parallel>, #tpu.dimension_semantics<subcore_parallel>], iteration_bounds = array<i64: 2, 16>, scalar_prefetch = 0 : i64, scratch_operands = 6 : i64, tpu.core_type = #tpu.core_type<sc_vector_subcore>, window_params = [{transform_indices = #map}, {transform_indices = #map1}, {transform_indices = #map1}, {transform_indices = #map1}]} {
    %mul3A = arith.constant 2 : i32
    %mul3A_0 = arith.muli %arg1, %mul3A : i32
    %add3A = arith.addi %mul3A_0, %arg0 : i32
    %mul3A_1 = arith.constant 640 : i32
    %mul3A_2 = arith.muli %arg1, %mul3A_1 : i32
    %mul3A_3 = arith.constant 640 : i32
    %mul3A_4 = arith.muli %arg1, %mul3A_3 : i32
    "tpu.region"() ({
      %run_scoped3A = tpu.sem_alloc : memref<!tpu.dma_semaphore, #tpu.memory_space<semaphore_mem>>
      %dma_start3A_44 = arith.constant 0 : i32
      %dma_start3A_45 = tpu.memref_slice %arg9[%mul3A_4, %dma_start3A_44] : memref<10240x128xf32, #tpu.memory_space<vmem_shared>> -> memref<640x128xf32, #tpu.memory_space<vmem_shared>>
      %dma_start3A_46 = arith.constant 0 : i32
      %dma_start3A_47 = tpu.memref_slice %arg4[%mul3A_2, %dma_start3A_46] : memref<10240x128xf32, #tpu.memory_space<hbm>> -> memref<640x128xf32, #tpu.memory_space<hbm>>
      tpu.enqueue_dma source(%dma_start3A_47 : memref<640x128xf32, #tpu.memory_space<hbm>>) target(%dma_start3A_45 : memref<640x128xf32, #tpu.memory_space<vmem_shared>>) target_semaphore(%run_scoped3A : memref<!tpu.dma_semaphore, #tpu.memory_space<semaphore_mem>>)
      %dma_wait3A_48 = arith.constant 0 : i32
      %dma_wait3A_49 = tpu.memref_slice %arg9[%mul3A_4, %dma_wait3A_48] : memref<10240x128xf32, #tpu.memory_space<vmem_shared>> -> memref<640x128xf32, #tpu.memory_space<vmem_shared>>
      %dma_wait3A_50 = arith.constant 0 : i32
      %dma_wait3A_51 = tpu.memref_slice %arg4[%mul3A_2, %dma_wait3A_50] : memref<10240x128xf32, #tpu.memory_space<hbm>> -> memref<640x128xf32, #tpu.memory_space<hbm>>
      tpu.wait_dma2 semaphore(%run_scoped3A : memref<!tpu.dma_semaphore, #tpu.memory_space<semaphore_mem>>) src(%dma_wait3A_51 : memref<640x128xf32, #tpu.memory_space<hbm>>) dst(%dma_wait3A_49 : memref<640x128xf32, #tpu.memory_space<vmem_shared>>)
      tpu.yield
    }) : () -> ()
    "tpu.region"() ({
      %run_scoped3A = tpu.sem_alloc : memref<!tpu.dma_semaphore, #tpu.memory_space<semaphore_mem>>
      tpu.enqueue_dma source(%arg3 : memref<120x128xf32, #tpu.memory_space<hbm>>) target(%arg8 : memref<120x128xf32, #tpu.memory_space<vmem>>) target_semaphore(%run_scoped3A : memref<!tpu.dma_semaphore, #tpu.memory_space<semaphore_mem>>)
      tpu.wait_dma2 semaphore(%run_scoped3A : memref<!tpu.dma_semaphore, #tpu.memory_space<semaphore_mem>>) src(%arg3 : memref<120x128xf32, #tpu.memory_space<hbm>>) dst(%arg8 : memref<120x128xf32, #tpu.memory_space<vmem>>)
      tpu.yield
    }) : () -> ()
    %barrier3A = arith.constant 0 : index
    tpu.barrier barrier_id(%barrier3A)
    %dma_start3A = arith.constant 0 : i32
    %dma_start3A_5 = arith.constant 0 : i32
    %dma_start3A_6 = tpu.memref_slice %arg2[%add3A, %dma_start3A, %dma_start3A_5] : memref<32x84x120xi32, #tpu.memory_space<hbm>> -> memref<1x1x120xi32, #tpu.memory_space<hbm>>
    %dma_start3A_7 = tpu.memref_squeeze %dma_start3A_6 : memref<1x1x120xi32, #tpu.memory_space<hbm>> -> memref<120xi32, #tpu.memory_space<hbm>>
    %dma_start3A_8 = arith.constant 0 : i32
    %dma_start3A_9 = tpu.memref_slice %arg2[%add3A, %dma_start3A, %dma_start3A_8] : memref<32x84x120xi32, #tpu.memory_space<hbm>> -> memref<1x1x120xi32, #tpu.memory_space<hbm>>
    %dma_start3A_10 = tpu.memref_squeeze %dma_start3A_9 : memref<1x1x120xi32, #tpu.memory_space<hbm>> -> memref<120xi32, #tpu.memory_space<hbm>>
    tpu.enqueue_dma source(%dma_start3A_10 : memref<120xi32, #tpu.memory_space<hbm>>) target(%arg6 : memref<120xi32, #tpu.memory_space<vmem>>) target_semaphore(%arg10 : memref<!tpu.dma_semaphore, #tpu.memory_space<semaphore_mem>>)
    %dma_start3A_11 = arith.constant 1 : i32
    %dma_start3A_12 = arith.constant 0 : i32
    %dma_start3A_13 = tpu.memref_slice %arg2[%add3A, %dma_start3A_11, %dma_start3A_12] : memref<32x84x120xi32, #tpu.memory_space<hbm>> -> memref<1x1x120xi32, #tpu.memory_space<hbm>>
    %dma_start3A_14 = tpu.memref_squeeze %dma_start3A_13 : memref<1x1x120xi32, #tpu.memory_space<hbm>> -> memref<120xi32, #tpu.memory_space<hbm>>
    %dma_start3A_15 = arith.constant 0 : i32
    %dma_start3A_16 = tpu.memref_slice %arg2[%add3A, %dma_start3A_11, %dma_start3A_15] : memref<32x84x120xi32, #tpu.memory_space<hbm>> -> memref<1x1x120xi32, #tpu.memory_space<hbm>>
    %dma_start3A_17 = tpu.memref_squeeze %dma_start3A_16 : memref<1x1x120xi32, #tpu.memory_space<hbm>> -> memref<120xi32, #tpu.memory_space<hbm>>
    tpu.enqueue_dma source(%dma_start3A_17 : memref<120xi32, #tpu.memory_space<hbm>>) target(%arg7 : memref<120xi32, #tpu.memory_space<vmem>>) target_semaphore(%arg11 : memref<!tpu.dma_semaphore, #tpu.memory_space<semaphore_mem>>)
    %scan3A = arith.constant 0 : i32
    %scan3A_18 = arith.constant 0 : i32
    %scan3A_19 = arith.constant 41 : i32
    %scan3A_20 = arith.addi %scan3A_18, %scan3A_19 : i32
    %scan3A_21 = arith.constant 1 : i32
    scf.for %scan3A_44 = %scan3A_18 to %scan3A_20 step %scan3A_21  : i32 {
      %mul3A_45 = arith.constant 2 : i32
      %mul3A_46 = arith.muli %mul3A_45, %scan3A_44 : i32
      %dma_wait3A_47 = arith.constant 0 : i32
      %dma_wait3A_48 = arith.constant 0 : i32
      %dma_wait3A_49 = tpu.memref_slice %arg2[%add3A, %dma_wait3A_47, %dma_wait3A_48] : memref<32x84x120xi32, #tpu.memory_space<hbm>> -> memref<1x1x120xi32, #tpu.memory_space<hbm>>
      %dma_wait3A_50 = tpu.memref_squeeze %dma_wait3A_49 : memref<1x1x120xi32, #tpu.memory_space<hbm>> -> memref<120xi32, #tpu.memory_space<hbm>>
      %dma_wait3A_51 = arith.constant 0 : i32
      %dma_wait3A_52 = tpu.memref_slice %arg2[%add3A, %dma_wait3A_47, %dma_wait3A_51] : memref<32x84x120xi32, #tpu.memory_space<hbm>> -> memref<1x1x120xi32, #tpu.memory_space<hbm>>
      %dma_wait3A_53 = tpu.memref_squeeze %dma_wait3A_52 : memref<1x1x120xi32, #tpu.memory_space<hbm>> -> memref<120xi32, #tpu.memory_space<hbm>>
      tpu.wait_dma2 semaphore(%arg10 : memref<!tpu.dma_semaphore, #tpu.memory_space<semaphore_mem>>) src(%dma_wait3A_53 : memref<120xi32, #tpu.memory_space<hbm>>) dst(%arg6 : memref<120xi32, #tpu.memory_space<vmem>>)
      "tpu.region"() ({
        %run_scoped3A = tpu.sem_alloc : memref<!tpu.dma_semaphore, #tpu.memory_space<semaphore_mem>>
        %dma_start3A_81 = arith.constant 0 : i32
        %dma_start3A_82 = arith.constant 0 : i32
        %dma_start3A_83 = tpu.memref_slice %arg9[%dma_start3A_81, %dma_start3A_82] : memref<10240x128xf32, #tpu.memory_space<vmem_shared>> -> memref<10240x128xf32, #tpu.memory_space<vmem_shared>>
        tpu.enqueue_indirect_dma source(%arg8 : memref<120x128xf32, #tpu.memory_space<vmem>>) target(%dma_start3A_83 : memref<10240x128xf32, #tpu.memory_space<vmem_shared>>) offsets(%arg6 : memref<120xi32, #tpu.memory_space<vmem>>) semaphore(%run_scoped3A : memref<!tpu.dma_semaphore, #tpu.memory_space<semaphore_mem>>) {add = true}
        %dma_wait3A_84 = arith.constant 0 : i32
        %dma_wait3A_85 = arith.constant 0 : i32
        %dma_wait3A_86 = tpu.memref_slice %arg9[%dma_wait3A_84, %dma_wait3A_85] : memref<10240x128xf32, #tpu.memory_space<vmem_shared>> -> memref<10240x128xf32, #tpu.memory_space<vmem_shared>>
        tpu.wait_indirect_dma semaphore(%run_scoped3A : memref<!tpu.dma_semaphore, #tpu.memory_space<semaphore_mem>>) src(%arg8 : memref<120x128xf32, #tpu.memory_space<vmem>>) dst(%dma_wait3A_86 : memref<10240x128xf32, #tpu.memory_space<vmem_shared>>)
        tpu.yield
      }) : () -> ()
      %add3A_54 = arith.constant 2 : i32
      %add3A_55 = arith.addi %mul3A_46, %add3A_54 : i32
      %dma_start3A_56 = arith.constant 0 : i32
      %dma_start3A_57 = tpu.memref_slice %arg2[%add3A, %add3A_55, %dma_start3A_56] : memref<32x84x120xi32, #tpu.memory_space<hbm>> -> memref<1x1x120xi32, #tpu.memory_space<hbm>>
      %dma_start3A_58 = tpu.memref_squeeze %dma_start3A_57 : memref<1x1x120xi32, #tpu.memory_space<hbm>> -> memref<120xi32, #tpu.memory_space<hbm>>
      %dma_start3A_59 = arith.constant 0 : i32
      %dma_start3A_60 = tpu.memref_slice %arg2[%add3A, %add3A_55, %dma_start3A_59] : memref<32x84x120xi32, #tpu.memory_space<hbm>> -> memref<1x1x120xi32, #tpu.memory_space<hbm>>
      %dma_start3A_61 = tpu.memref_squeeze %dma_start3A_60 : memref<1x1x120xi32, #tpu.memory_space<hbm>> -> memref<120xi32, #tpu.memory_space<hbm>>
      tpu.enqueue_dma source(%dma_start3A_61 : memref<120xi32, #tpu.memory_space<hbm>>) target(%arg6 : memref<120xi32, #tpu.memory_space<vmem>>) target_semaphore(%arg10 : memref<!tpu.dma_semaphore, #tpu.memory_space<semaphore_mem>>)
      %mul3A_62 = arith.constant 2 : i32
      %mul3A_63 = arith.muli %mul3A_62, %scan3A_44 : i32
      %add3A_64 = arith.constant 1 : i32
      %add3A_65 = arith.addi %mul3A_63, %add3A_64 : i32
      %dma_wait3A_66 = arith.constant 0 : i32
      %dma_wait3A_67 = arith.constant 0 : i32
      %dma_wait3A_68 = tpu.memref_slice %arg2[%add3A, %dma_wait3A_66, %dma_wait3A_67] : memref<32x84x120xi32, #tpu.memory_space<hbm>> -> memref<1x1x120xi32, #tpu.memory_space<hbm>>
      %dma_wait3A_69 = tpu.memref_squeeze %dma_wait3A_68 : memref<1x1x120xi32, #tpu.memory_space<hbm>> -> memref<120xi32, #tpu.memory_space<hbm>>
      %dma_wait3A_70 = arith.constant 0 : i32
      %dma_wait3A_71 = tpu.memref_slice %arg2[%add3A, %dma_wait3A_66, %dma_wait3A_70] : memref<32x84x120xi32, #tpu.memory_space<hbm>> -> memref<1x1x120xi32, #tpu.memory_space<hbm>>
      %dma_wait3A_72 = tpu.memref_squeeze %dma_wait3A_71 : memref<1x1x120xi32, #tpu.memory_space<hbm>> -> memref<120xi32, #tpu.memory_space<hbm>>
      tpu.wait_dma2 semaphore(%arg11 : memref<!tpu.dma_semaphore, #tpu.memory_space<semaphore_mem>>) src(%dma_wait3A_72 : memref<120xi32, #tpu.memory_space<hbm>>) dst(%arg7 : memref<120xi32, #tpu.memory_space<vmem>>)
      "tpu.region"() ({
        %run_scoped3A = tpu.sem_alloc : memref<!tpu.dma_semaphore, #tpu.memory_space<semaphore_mem>>
        %dma_start3A_81 = arith.constant 0 : i32
        %dma_start3A_82 = arith.constant 0 : i32
        %dma_start3A_83 = tpu.memref_slice %arg9[%dma_start3A_81, %dma_start3A_82] : memref<10240x128xf32, #tpu.memory_space<vmem_shared>> -> memref<10240x128xf32, #tpu.memory_space<vmem_shared>>
        tpu.enqueue_indirect_dma source(%arg8 : memref<120x128xf32, #tpu.memory_space<vmem>>) target(%dma_start3A_83 : memref<10240x128xf32, #tpu.memory_space<vmem_shared>>) offsets(%arg7 : memref<120xi32, #tpu.memory_space<vmem>>) semaphore(%run_scoped3A : memref<!tpu.dma_semaphore, #tpu.memory_space<semaphore_mem>>) {add = true}
        %dma_wait3A_84 = arith.constant 0 : i32
        %dma_wait3A_85 = arith.constant 0 : i32
        %dma_wait3A_86 = tpu.memref_slice %arg9[%dma_wait3A_84, %dma_wait3A_85] : memref<10240x128xf32, #tpu.memory_space<vmem_shared>> -> memref<10240x128xf32, #tpu.memory_space<vmem_shared>>
        tpu.wait_indirect_dma semaphore(%run_scoped3A : memref<!tpu.dma_semaphore, #tpu.memory_space<semaphore_mem>>) src(%arg8 : memref<120x128xf32, #tpu.memory_space<vmem>>) dst(%dma_wait3A_86 : memref<10240x128xf32, #tpu.memory_space<vmem_shared>>)
        tpu.yield
      }) : () -> ()
      %add3A_73 = arith.constant 2 : i32
      %add3A_74 = arith.addi %add3A_65, %add3A_73 : i32
      %dma_start3A_75 = arith.constant 0 : i32
      %dma_start3A_76 = tpu.memref_slice %arg2[%add3A, %add3A_74, %dma_start3A_75] : memref<32x84x120xi32, #tpu.memory_space<hbm>> -> memref<1x1x120xi32, #tpu.memory_space<hbm>>
      %dma_start3A_77 = tpu.memref_squeeze %dma_start3A_76 : memref<1x1x120xi32, #tpu.memory_space<hbm>> -> memref<120xi32, #tpu.memory_space<hbm>>
      %dma_start3A_78 = arith.constant 0 : i32
      %dma_start3A_79 = tpu.memref_slice %arg2[%add3A, %add3A_74, %dma_start3A_78] : memref<32x84x120xi32, #tpu.memory_space<hbm>> -> memref<1x1x120xi32, #tpu.memory_space<hbm>>
      %dma_start3A_80 = tpu.memref_squeeze %dma_start3A_79 : memref<1x1x120xi32, #tpu.memory_space<hbm>> -> memref<120xi32, #tpu.memory_space<hbm>>
      tpu.enqueue_dma source(%dma_start3A_80 : memref<120xi32, #tpu.memory_space<hbm>>) target(%arg7 : memref<120xi32, #tpu.memory_space<vmem>>) target_semaphore(%arg11 : memref<!tpu.dma_semaphore, #tpu.memory_space<semaphore_mem>>)
    }
    %scan3A_22 = arith.constant 41 : i32
    %dma_wait3A = arith.constant 0 : i32
    %dma_wait3A_23 = arith.constant 0 : i32
    %dma_wait3A_24 = tpu.memref_slice %arg2[%add3A, %dma_wait3A, %dma_wait3A_23] : memref<32x84x120xi32, #tpu.memory_space<hbm>> -> memref<1x1x120xi32, #tpu.memory_space<hbm>>
    %dma_wait3A_25 = tpu.memref_squeeze %dma_wait3A_24 : memref<1x1x120xi32, #tpu.memory_space<hbm>> -> memref<120xi32, #tpu.memory_space<hbm>>
    %dma_wait3A_26 = arith.constant 0 : i32
    %dma_wait3A_27 = tpu.memref_slice %arg2[%add3A, %dma_wait3A, %dma_wait3A_26] : memref<32x84x120xi32, #tpu.memory_space<hbm>> -> memref<1x1x120xi32, #tpu.memory_space<hbm>>
    %dma_wait3A_28 = tpu.memref_squeeze %dma_wait3A_27 : memref<1x1x120xi32, #tpu.memory_space<hbm>> -> memref<120xi32, #tpu.memory_space<hbm>>
    tpu.wait_dma2 semaphore(%arg10 : memref<!tpu.dma_semaphore, #tpu.memory_space<semaphore_mem>>) src(%dma_wait3A_28 : memref<120xi32, #tpu.memory_space<hbm>>) dst(%arg6 : memref<120xi32, #tpu.memory_space<vmem>>)
    "tpu.region"() ({
      %run_scoped3A = tpu.sem_alloc : memref<!tpu.dma_semaphore, #tpu.memory_space<semaphore_mem>>
      %dma_start3A_44 = arith.constant 0 : i32
      %dma_start3A_45 = arith.constant 0 : i32
      %dma_start3A_46 = tpu.memref_slice %arg9[%dma_start3A_44, %dma_start3A_45] : memref<10240x128xf32, #tpu.memory_space<vmem_shared>> -> memref<10240x128xf32, #tpu.memory_space<vmem_shared>>
      tpu.enqueue_indirect_dma source(%arg8 : memref<120x128xf32, #tpu.memory_space<vmem>>) target(%dma_start3A_46 : memref<10240x128xf32, #tpu.memory_space<vmem_shared>>) offsets(%arg6 : memref<120xi32, #tpu.memory_space<vmem>>) semaphore(%run_scoped3A : memref<!tpu.dma_semaphore, #tpu.memory_space<semaphore_mem>>) {add = true}
      %dma_wait3A_47 = arith.constant 0 : i32
      %dma_wait3A_48 = arith.constant 0 : i32
      %dma_wait3A_49 = tpu.memref_slice %arg9[%dma_wait3A_47, %dma_wait3A_48] : memref<10240x128xf32, #tpu.memory_space<vmem_shared>> -> memref<10240x128xf32, #tpu.memory_space<vmem_shared>>
      tpu.wait_indirect_dma semaphore(%run_scoped3A : memref<!tpu.dma_semaphore, #tpu.memory_space<semaphore_mem>>) src(%arg8 : memref<120x128xf32, #tpu.memory_space<vmem>>) dst(%dma_wait3A_49 : memref<10240x128xf32, #tpu.memory_space<vmem_shared>>)
      tpu.yield
    }) : () -> ()
    %dma_wait3A_29 = arith.constant 0 : i32
    %dma_wait3A_30 = arith.constant 0 : i32
    %dma_wait3A_31 = tpu.memref_slice %arg2[%add3A, %dma_wait3A_29, %dma_wait3A_30] : memref<32x84x120xi32, #tpu.memory_space<hbm>> -> memref<1x1x120xi32, #tpu.memory_space<hbm>>
    %dma_wait3A_32 = tpu.memref_squeeze %dma_wait3A_31 : memref<1x1x120xi32, #tpu.memory_space<hbm>> -> memref<120xi32, #tpu.memory_space<hbm>>
    %dma_wait3A_33 = arith.constant 0 : i32
    %dma_wait3A_34 = tpu.memref_slice %arg2[%add3A, %dma_wait3A_29, %dma_wait3A_33] : memref<32x84x120xi32, #tpu.memory_space<hbm>> -> memref<1x1x120xi32, #tpu.memory_space<hbm>>
    %dma_wait3A_35 = tpu.memref_squeeze %dma_wait3A_34 : memref<1x1x120xi32, #tpu.memory_space<hbm>> -> memref<120xi32, #tpu.memory_space<hbm>>
    tpu.wait_dma2 semaphore(%arg11 : memref<!tpu.dma_semaphore, #tpu.memory_space<semaphore_mem>>) src(%dma_wait3A_35 : memref<120xi32, #tpu.memory_space<hbm>>) dst(%arg7 : memref<120xi32, #tpu.memory_space<vmem>>)
    "tpu.region"() ({
      %run_scoped3A = tpu.sem_alloc : memref<!tpu.dma_semaphore, #tpu.memory_space<semaphore_mem>>
      %dma_start3A_44 = arith.constant 0 : i32
      %dma_start3A_45 = arith.constant 0 : i32
      %dma_start3A_46 = tpu.memref_slice %arg9[%dma_start3A_44, %dma_start3A_45] : memref<10240x128xf32, #tpu.memory_space<vmem_shared>> -> memref<10240x128xf32, #tpu.memory_space<vmem_shared>>
      tpu.enqueue_indirect_dma source(%arg8 : memref<120x128xf32, #tpu.memory_space<vmem>>) target(%dma_start3A_46 : memref<10240x128xf32, #tpu.memory_space<vmem_shared>>) offsets(%arg7 : memref<120xi32, #tpu.memory_space<vmem>>) semaphore(%run_scoped3A : memref<!tpu.dma_semaphore, #tpu.memory_space<semaphore_mem>>) {add = true}
      %dma_wait3A_47 = arith.constant 0 : i32
      %dma_wait3A_48 = arith.constant 0 : i32
      %dma_wait3A_49 = tpu.memref_slice %arg9[%dma_wait3A_47, %dma_wait3A_48] : memref<10240x128xf32, #tpu.memory_space<vmem_shared>> -> memref<10240x128xf32, #tpu.memory_space<vmem_shared>>
      tpu.wait_indirect_dma semaphore(%run_scoped3A : memref<!tpu.dma_semaphore, #tpu.memory_space<semaphore_mem>>) src(%arg8 : memref<120x128xf32, #tpu.memory_space<vmem>>) dst(%dma_wait3A_49 : memref<10240x128xf32, #tpu.memory_space<vmem_shared>>)
      tpu.yield
    }) : () -> ()
    %barrier3A_36 = arith.constant 0 : index
    tpu.barrier barrier_id(%barrier3A_36)
    %mul3A_37 = arith.constant 640 : i32
    %mul3A_38 = arith.muli %arg1, %mul3A_37 : i32
    %mul3A_39 = arith.constant 10240 : i32
    %mul3A_40 = arith.muli %arg0, %mul3A_39 : i32
    %mul3A_41 = arith.constant 640 : i32
    %mul3A_42 = arith.muli %arg1, %mul3A_41 : i32
    %add3A_43 = arith.addi %mul3A_40, %mul3A_42 : i32
    "tpu.region"() ({
      %run_scoped3A = tpu.sem_alloc : memref<!tpu.dma_semaphore, #tpu.memory_space<semaphore_mem>>
      %dma_start3A_44 = arith.constant 0 : i32
      %dma_start3A_45 = tpu.memref_slice %arg5[%add3A_43, %dma_start3A_44] : memref<20480x128xf32, #tpu.memory_space<hbm>> -> memref<640x128xf32, #tpu.memory_space<hbm>>
      %dma_start3A_46 = arith.constant 0 : i32
      %dma_start3A_47 = tpu.memref_slice %arg9[%mul3A_38, %dma_start3A_46] : memref<10240x128xf32, #tpu.memory_space<vmem_shared>> -> memref<640x128xf32, #tpu.memory_space<vmem_shared>>
      tpu.enqueue_dma source(%dma_start3A_47 : memref<640x128xf32, #tpu.memory_space<vmem_shared>>) target(%dma_start3A_45 : memref<640x128xf32, #tpu.memory_space<hbm>>) target_semaphore(%run_scoped3A : memref<!tpu.dma_semaphore, #tpu.memory_space<semaphore_mem>>)
      %dma_wait3A_48 = arith.constant 0 : i32
      %dma_wait3A_49 = tpu.memref_slice %arg5[%add3A_43, %dma_wait3A_48] : memref<20480x128xf32, #tpu.memory_space<hbm>> -> memref<640x128xf32, #tpu.memory_space<hbm>>
      %dma_wait3A_50 = arith.constant 0 : i32
      %dma_wait3A_51 = tpu.memref_slice %arg9[%mul3A_38, %dma_wait3A_50] : memref<10240x128xf32, #tpu.memory_space<vmem_shared>> -> memref<640x128xf32, #tpu.memory_space<vmem_shared>>
      tpu.wait_dma2 semaphore(%run_scoped3A : memref<!tpu.dma_semaphore, #tpu.memory_space<semaphore_mem>>) src(%dma_wait3A_51 : memref<640x128xf32, #tpu.memory_space<vmem_shared>>) dst(%dma_wait3A_49 : memref<640x128xf32, #tpu.memory_space<hbm>>)
      tpu.yield
    }) : () -> ()
    return
  }
}

#map = affine_map<(d0, d1) -> (0, 0, 0)>
#map1 = affine_map<(d0, d1) -> (0, 0)>
module attributes {stable_mosaic.version = 14 : i64} {
  func.func @k(%arg0: i32, %arg1: i32, %arg2: memref<32x84x120xi32, #tpu.memory_space<hbm>>, %arg3: memref<32x84x120xi32, #tpu.memory_space<hbm>>, %arg4: memref<10000x128xf32, #tpu.memory_space<hbm>>, %arg5: memref<10240x128xf32, #tpu.memory_space<hbm>>, %arg6: memref<20480x128xf32, #tpu.memory_space<hbm>>, %arg7: memref<120xi32, #tpu.memory_space<vmem>>, %arg8: memref<120xi32, #tpu.memory_space<vmem>>, %arg9: memref<120xi32, #tpu.memory_space<vmem>>, %arg10: memref<120xi32, #tpu.memory_space<vmem>>, %arg11: memref<120x128xf32, #tpu.memory_space<vmem>>, %arg12: memref<10240x128xf32, #tpu.memory_space<vmem_shared>>, %arg13: memref<!tpu.dma_semaphore, #tpu.memory_space<semaphore_mem>>, %arg14: memref<!tpu.dma_semaphore, #tpu.memory_space<semaphore_mem>>) attributes {dimension_semantics = [#tpu.dimension_semantics<core_parallel>, #tpu.dimension_semantics<subcore_parallel>], iteration_bounds = array<i64: 2, 16>, scalar_prefetch = 0 : i64, scratch_operands = 8 : i64, tpu.core_type = #tpu.core_type<sc_vector_subcore>, window_params = [{transform_indices = #map}, {transform_indices = #map}, {transform_indices = #map1}, {transform_indices = #map1}, {transform_indices = #map1}]} {
    %mul3A = arith.constant 2 : i32
    %mul3A_0 = arith.muli %arg1, %mul3A : i32
    %add3A = arith.addi %mul3A_0, %arg0 : i32
    %mul3A_1 = arith.constant 640 : i32
    %mul3A_2 = arith.muli %arg1, %mul3A_1 : i32
    %mul3A_3 = arith.constant 640 : i32
    %mul3A_4 = arith.muli %arg1, %mul3A_3 : i32
    "tpu.region"() ({
      %run_scoped3A = tpu.sem_alloc : memref<!tpu.dma_semaphore, #tpu.memory_space<semaphore_mem>>
      %dma_start3A_72 = arith.constant 0 : i32
      %dma_start3A_73 = tpu.memref_slice %arg12[%mul3A_4, %dma_start3A_72] : memref<10240x128xf32, #tpu.memory_space<vmem_shared>> -> memref<640x128xf32, #tpu.memory_space<vmem_shared>>
      %dma_start3A_74 = arith.constant 0 : i32
      %dma_start3A_75 = tpu.memref_slice %arg5[%mul3A_2, %dma_start3A_74] : memref<10240x128xf32, #tpu.memory_space<hbm>> -> memref<640x128xf32, #tpu.memory_space<hbm>>
      tpu.enqueue_dma source(%dma_start3A_75 : memref<640x128xf32, #tpu.memory_space<hbm>>) target(%dma_start3A_73 : memref<640x128xf32, #tpu.memory_space<vmem_shared>>) target_semaphore(%run_scoped3A : memref<!tpu.dma_semaphore, #tpu.memory_space<semaphore_mem>>)
      %dma_wait3A_76 = arith.constant 0 : i32
      %dma_wait3A_77 = tpu.memref_slice %arg12[%mul3A_4, %dma_wait3A_76] : memref<10240x128xf32, #tpu.memory_space<vmem_shared>> -> memref<640x128xf32, #tpu.memory_space<vmem_shared>>
      %dma_wait3A_78 = arith.constant 0 : i32
      %dma_wait3A_79 = tpu.memref_slice %arg5[%mul3A_2, %dma_wait3A_78] : memref<10240x128xf32, #tpu.memory_space<hbm>> -> memref<640x128xf32, #tpu.memory_space<hbm>>
      tpu.wait_dma2 semaphore(%run_scoped3A : memref<!tpu.dma_semaphore, #tpu.memory_space<semaphore_mem>>) src(%dma_wait3A_79 : memref<640x128xf32, #tpu.memory_space<hbm>>) dst(%dma_wait3A_77 : memref<640x128xf32, #tpu.memory_space<vmem_shared>>)
      tpu.yield
    }) : () -> ()
    %barrier3A = arith.constant 0 : index
    tpu.barrier barrier_id(%barrier3A)
    %dma_start3A = arith.constant 0 : i32
    %dma_start3A_5 = arith.constant 0 : i32
    %dma_start3A_6 = tpu.memref_slice %arg2[%add3A, %dma_start3A, %dma_start3A_5] : memref<32x84x120xi32, #tpu.memory_space<hbm>> -> memref<1x1x120xi32, #tpu.memory_space<hbm>>
    %dma_start3A_7 = tpu.memref_squeeze %dma_start3A_6 : memref<1x1x120xi32, #tpu.memory_space<hbm>> -> memref<120xi32, #tpu.memory_space<hbm>>
    %dma_start3A_8 = arith.constant 0 : i32
    %dma_start3A_9 = tpu.memref_slice %arg2[%add3A, %dma_start3A, %dma_start3A_8] : memref<32x84x120xi32, #tpu.memory_space<hbm>> -> memref<1x1x120xi32, #tpu.memory_space<hbm>>
    %dma_start3A_10 = tpu.memref_squeeze %dma_start3A_9 : memref<1x1x120xi32, #tpu.memory_space<hbm>> -> memref<120xi32, #tpu.memory_space<hbm>>
    tpu.enqueue_dma source(%dma_start3A_10 : memref<120xi32, #tpu.memory_space<hbm>>) target(%arg7 : memref<120xi32, #tpu.memory_space<vmem>>) target_semaphore(%arg13 : memref<!tpu.dma_semaphore, #tpu.memory_space<semaphore_mem>>)
    %dma_start3A_11 = arith.constant 0 : i32
    %dma_start3A_12 = arith.constant 0 : i32
    %dma_start3A_13 = tpu.memref_slice %arg3[%add3A, %dma_start3A_11, %dma_start3A_12] : memref<32x84x120xi32, #tpu.memory_space<hbm>> -> memref<1x1x120xi32, #tpu.memory_space<hbm>>
    %dma_start3A_14 = tpu.memref_squeeze %dma_start3A_13 : memref<1x1x120xi32, #tpu.memory_space<hbm>> -> memref<120xi32, #tpu.memory_space<hbm>>
    %dma_start3A_15 = arith.constant 0 : i32
    %dma_start3A_16 = tpu.memref_slice %arg3[%add3A, %dma_start3A_11, %dma_start3A_15] : memref<32x84x120xi32, #tpu.memory_space<hbm>> -> memref<1x1x120xi32, #tpu.memory_space<hbm>>
    %dma_start3A_17 = tpu.memref_squeeze %dma_start3A_16 : memref<1x1x120xi32, #tpu.memory_space<hbm>> -> memref<120xi32, #tpu.memory_space<hbm>>
    tpu.enqueue_dma source(%dma_start3A_17 : memref<120xi32, #tpu.memory_space<hbm>>) target(%arg9 : memref<120xi32, #tpu.memory_space<vmem>>) target_semaphore(%arg13 : memref<!tpu.dma_semaphore, #tpu.memory_space<semaphore_mem>>)
    %dma_start3A_18 = arith.constant 1 : i32
    %dma_start3A_19 = arith.constant 0 : i32
    %dma_start3A_20 = tpu.memref_slice %arg2[%add3A, %dma_start3A_18, %dma_start3A_19] : memref<32x84x120xi32, #tpu.memory_space<hbm>> -> memref<1x1x120xi32, #tpu.memory_space<hbm>>
    %dma_start3A_21 = tpu.memref_squeeze %dma_start3A_20 : memref<1x1x120xi32, #tpu.memory_space<hbm>> -> memref<120xi32, #tpu.memory_space<hbm>>
    %dma_start3A_22 = arith.constant 0 : i32
    %dma_start3A_23 = tpu.memref_slice %arg2[%add3A, %dma_start3A_18, %dma_start3A_22] : memref<32x84x120xi32, #tpu.memory_space<hbm>> -> memref<1x1x120xi32, #tpu.memory_space<hbm>>
    %dma_start3A_24 = tpu.memref_squeeze %dma_start3A_23 : memref<1x1x120xi32, #tpu.memory_space<hbm>> -> memref<120xi32, #tpu.memory_space<hbm>>
    tpu.enqueue_dma source(%dma_start3A_24 : memref<120xi32, #tpu.memory_space<hbm>>) target(%arg8 : memref<120xi32, #tpu.memory_space<vmem>>) target_semaphore(%arg14 : memref<!tpu.dma_semaphore, #tpu.memory_space<semaphore_mem>>)
    %dma_start3A_25 = arith.constant 1 : i32
    %dma_start3A_26 = arith.constant 0 : i32
    %dma_start3A_27 = tpu.memref_slice %arg3[%add3A, %dma_start3A_25, %dma_start3A_26] : memref<32x84x120xi32, #tpu.memory_space<hbm>> -> memref<1x1x120xi32, #tpu.memory_space<hbm>>
    %dma_start3A_28 = tpu.memref_squeeze %dma_start3A_27 : memref<1x1x120xi32, #tpu.memory_space<hbm>> -> memref<120xi32, #tpu.memory_space<hbm>>
    %dma_start3A_29 = arith.constant 0 : i32
    %dma_start3A_30 = tpu.memref_slice %arg3[%add3A, %dma_start3A_25, %dma_start3A_29] : memref<32x84x120xi32, #tpu.memory_space<hbm>> -> memref<1x1x120xi32, #tpu.memory_space<hbm>>
    %dma_start3A_31 = tpu.memref_squeeze %dma_start3A_30 : memref<1x1x120xi32, #tpu.memory_space<hbm>> -> memref<120xi32, #tpu.memory_space<hbm>>
    tpu.enqueue_dma source(%dma_start3A_31 : memref<120xi32, #tpu.memory_space<hbm>>) target(%arg10 : memref<120xi32, #tpu.memory_space<vmem>>) target_semaphore(%arg14 : memref<!tpu.dma_semaphore, #tpu.memory_space<semaphore_mem>>)
    %scan3A = arith.constant 0 : i32
    %scan3A_32 = arith.constant 0 : i32
    %scan3A_33 = arith.constant 41 : i32
    %scan3A_34 = arith.addi %scan3A_32, %scan3A_33 : i32
    %scan3A_35 = arith.constant 1 : i32
    scf.for %scan3A_72 = %scan3A_32 to %scan3A_34 step %scan3A_35  : i32 {
      %mul3A_73 = arith.constant 2 : i32
      %mul3A_74 = arith.muli %mul3A_73, %scan3A_72 : i32
      %dma_wait3A_75 = arith.constant 0 : i32
      %dma_wait3A_76 = arith.constant 0 : i32
      %dma_wait3A_77 = tpu.memref_slice %arg2[%add3A, %dma_wait3A_75, %dma_wait3A_76] : memref<32x84x120xi32, #tpu.memory_space<hbm>> -> memref<1x1x120xi32, #tpu.memory_space<hbm>>
      %dma_wait3A_78 = tpu.memref_squeeze %dma_wait3A_77 : memref<1x1x120xi32, #tpu.memory_space<hbm>> -> memref<120xi32, #tpu.memory_space<hbm>>
      %dma_wait3A_79 = arith.constant 0 : i32
      %dma_wait3A_80 = tpu.memref_slice %arg2[%add3A, %dma_wait3A_75, %dma_wait3A_79] : memref<32x84x120xi32, #tpu.memory_space<hbm>> -> memref<1x1x120xi32, #tpu.memory_space<hbm>>
      %dma_wait3A_81 = tpu.memref_squeeze %dma_wait3A_80 : memref<1x1x120xi32, #tpu.memory_space<hbm>> -> memref<120xi32, #tpu.memory_space<hbm>>
      tpu.wait_dma2 semaphore(%arg13 : memref<!tpu.dma_semaphore, #tpu.memory_space<semaphore_mem>>) src(%dma_wait3A_81 : memref<120xi32, #tpu.memory_space<hbm>>) dst(%arg7 : memref<120xi32, #tpu.memory_space<vmem>>)
      %dma_wait3A_82 = arith.constant 0 : i32
      %dma_wait3A_83 = arith.constant 0 : i32
      %dma_wait3A_84 = tpu.memref_slice %arg3[%add3A, %dma_wait3A_82, %dma_wait3A_83] : memref<32x84x120xi32, #tpu.memory_space<hbm>> -> memref<1x1x120xi32, #tpu.memory_space<hbm>>
      %dma_wait3A_85 = tpu.memref_squeeze %dma_wait3A_84 : memref<1x1x120xi32, #tpu.memory_space<hbm>> -> memref<120xi32, #tpu.memory_space<hbm>>
      %dma_wait3A_86 = arith.constant 0 : i32
      %dma_wait3A_87 = tpu.memref_slice %arg3[%add3A, %dma_wait3A_82, %dma_wait3A_86] : memref<32x84x120xi32, #tpu.memory_space<hbm>> -> memref<1x1x120xi32, #tpu.memory_space<hbm>>
      %dma_wait3A_88 = tpu.memref_squeeze %dma_wait3A_87 : memref<1x1x120xi32, #tpu.memory_space<hbm>> -> memref<120xi32, #tpu.memory_space<hbm>>
      tpu.wait_dma2 semaphore(%arg13 : memref<!tpu.dma_semaphore, #tpu.memory_space<semaphore_mem>>) src(%dma_wait3A_88 : memref<120xi32, #tpu.memory_space<hbm>>) dst(%arg9 : memref<120xi32, #tpu.memory_space<vmem>>)
      "tpu.region"() ({
        %run_scoped3A = tpu.sem_alloc : memref<!tpu.dma_semaphore, #tpu.memory_space<semaphore_mem>>
        %dma_start3A_135 = arith.constant 0 : i32
        %dma_start3A_136 = arith.constant 0 : i32
        %dma_start3A_137 = tpu.memref_slice %arg4[%dma_start3A_135, %dma_start3A_136] : memref<10000x128xf32, #tpu.memory_space<hbm>> -> memref<10000x128xf32, #tpu.memory_space<hbm>>
        tpu.enqueue_indirect_dma source(%dma_start3A_137 : memref<10000x128xf32, #tpu.memory_space<hbm>>) target(%arg11 : memref<120x128xf32, #tpu.memory_space<vmem>>) offsets(%arg7 : memref<120xi32, #tpu.memory_space<vmem>>) semaphore(%run_scoped3A : memref<!tpu.dma_semaphore, #tpu.memory_space<semaphore_mem>>)
        %dma_wait3A_138 = arith.constant 0 : i32
        %dma_wait3A_139 = arith.constant 0 : i32
        %dma_wait3A_140 = tpu.memref_slice %arg4[%dma_wait3A_138, %dma_wait3A_139] : memref<10000x128xf32, #tpu.memory_space<hbm>> -> memref<10000x128xf32, #tpu.memory_space<hbm>>
        tpu.wait_indirect_dma semaphore(%run_scoped3A : memref<!tpu.dma_semaphore, #tpu.memory_space<semaphore_mem>>) src(%dma_wait3A_140 : memref<10000x128xf32, #tpu.memory_space<hbm>>) dst(%arg11 : memref<120x128xf32, #tpu.memory_space<vmem>>)
        tpu.yield
      }) : () -> ()
      "tpu.region"() ({
        %run_scoped3A = tpu.sem_alloc : memref<!tpu.dma_semaphore, #tpu.memory_space<semaphore_mem>>
        %dma_start3A_135 = arith.constant 0 : i32
        %dma_start3A_136 = arith.constant 0 : i32
        %dma_start3A_137 = tpu.memref_slice %arg12[%dma_start3A_135, %dma_start3A_136] : memref<10240x128xf32, #tpu.memory_space<vmem_shared>> -> memref<10240x128xf32, #tpu.memory_space<vmem_shared>>
        tpu.enqueue_indirect_dma source(%arg11 : memref<120x128xf32, #tpu.memory_space<vmem>>) target(%dma_start3A_137 : memref<10240x128xf32, #tpu.memory_space<vmem_shared>>) offsets(%arg9 : memref<120xi32, #tpu.memory_space<vmem>>) semaphore(%run_scoped3A : memref<!tpu.dma_semaphore, #tpu.memory_space<semaphore_mem>>) {add = true}
        %dma_wait3A_138 = arith.constant 0 : i32
        %dma_wait3A_139 = arith.constant 0 : i32
        %dma_wait3A_140 = tpu.memref_slice %arg12[%dma_wait3A_138, %dma_wait3A_139] : memref<10240x128xf32, #tpu.memory_space<vmem_shared>> -> memref<10240x128xf32, #tpu.memory_space<vmem_shared>>
        tpu.wait_indirect_dma semaphore(%run_scoped3A : memref<!tpu.dma_semaphore, #tpu.memory_space<semaphore_mem>>) src(%arg11 : memref<120x128xf32, #tpu.memory_space<vmem>>) dst(%dma_wait3A_140 : memref<10240x128xf32, #tpu.memory_space<vmem_shared>>)
        tpu.yield
      }) : () -> ()
      %add3A_89 = arith.constant 2 : i32
      %add3A_90 = arith.addi %mul3A_74, %add3A_89 : i32
      %dma_start3A_91 = arith.constant 0 : i32
      %dma_start3A_92 = tpu.memref_slice %arg2[%add3A, %add3A_90, %dma_start3A_91] : memref<32x84x120xi32, #tpu.memory_space<hbm>> -> memref<1x1x120xi32, #tpu.memory_space<hbm>>
      %dma_start3A_93 = tpu.memref_squeeze %dma_start3A_92 : memref<1x1x120xi32, #tpu.memory_space<hbm>> -> memref<120xi32, #tpu.memory_space<hbm>>
      %dma_start3A_94 = arith.constant 0 : i32
      %dma_start3A_95 = tpu.memref_slice %arg2[%add3A, %add3A_90, %dma_start3A_94] : memref<32x84x120xi32, #tpu.memory_space<hbm>> -> memref<1x1x120xi32, #tpu.memory_space<hbm>>
      %dma_start3A_96 = tpu.memref_squeeze %dma_start3A_95 : memref<1x1x120xi32, #tpu.memory_space<hbm>> -> memref<120xi32, #tpu.memory_space<hbm>>
      tpu.enqueue_dma source(%dma_start3A_96 : memref<120xi32, #tpu.memory_space<hbm>>) target(%arg7 : memref<120xi32, #tpu.memory_space<vmem>>) target_semaphore(%arg13 : memref<!tpu.dma_semaphore, #tpu.memory_space<semaphore_mem>>)
      %dma_start3A_97 = arith.constant 0 : i32
      %dma_start3A_98 = tpu.memref_slice %arg3[%add3A, %add3A_90, %dma_start3A_97] : memref<32x84x120xi32, #tpu.memory_space<hbm>> -> memref<1x1x120xi32, #tpu.memory_space<hbm>>
      %dma_start3A_99 = tpu.memref_squeeze %dma_start3A_98 : memref<1x1x120xi32, #tpu.memory_space<hbm>> -> memref<120xi32, #tpu.memory_space<hbm>>
      %dma_start3A_100 = arith.constant 0 : i32
      %dma_start3A_101 = tpu.memref_slice %arg3[%add3A, %add3A_90, %dma_start3A_100] : memref<32x84x120xi32, #tpu.memory_space<hbm>> -> memref<1x1x120xi32, #tpu.memory_space<hbm>>
      %dma_start3A_102 = tpu.memref_squeeze %dma_start3A_101 : memref<1x1x120xi32, #tpu.memory_space<hbm>> -> memref<120xi32, #tpu.memory_space<hbm>>
      tpu.enqueue_dma source(%dma_start3A_102 : memref<120xi32, #tpu.memory_space<hbm>>) target(%arg9 : memref<120xi32, #tpu.memory_space<vmem>>) target_semaphore(%arg13 : memref<!tpu.dma_semaphore, #tpu.memory_space<semaphore_mem>>)
      %mul3A_103 = arith.constant 2 : i32
      %mul3A_104 = arith.muli %mul3A_103, %scan3A_72 : i32
      %add3A_105 = arith.constant 1 : i32
      %add3A_106 = arith.addi %mul3A_104, %add3A_105 : i32
      %dma_wait3A_107 = arith.constant 0 : i32
      %dma_wait3A_108 = arith.constant 0 : i32
      %dma_wait3A_109 = tpu.memref_slice %arg2[%add3A, %dma_wait3A_107, %dma_wait3A_108] : memref<32x84x120xi32, #tpu.memory_space<hbm>> -> memref<1x1x120xi32, #tpu.memory_space<hbm>>
      %dma_wait3A_110 = tpu.memref_squeeze %dma_wait3A_109 : memref<1x1x120xi32, #tpu.memory_space<hbm>> -> memref<120xi32, #tpu.memory_space<hbm>>
      %dma_wait3A_111 = arith.constant 0 : i32
      %dma_wait3A_112 = tpu.memref_slice %arg2[%add3A, %dma_wait3A_107, %dma_wait3A_111] : memref<32x84x120xi32, #tpu.memory_space<hbm>> -> memref<1x1x120xi32, #tpu.memory_space<hbm>>
      %dma_wait3A_113 = tpu.memref_squeeze %dma_wait3A_112 : memref<1x1x120xi32, #tpu.memory_space<hbm>> -> memref<120xi32, #tpu.memory_space<hbm>>
      tpu.wait_dma2 semaphore(%arg14 : memref<!tpu.dma_semaphore, #tpu.memory_space<semaphore_mem>>) src(%dma_wait3A_113 : memref<120xi32, #tpu.memory_space<hbm>>) dst(%arg8 : memref<120xi32, #tpu.memory_space<vmem>>)
      %dma_wait3A_114 = arith.constant 0 : i32
      %dma_wait3A_115 = arith.constant 0 : i32
      %dma_wait3A_116 = tpu.memref_slice %arg3[%add3A, %dma_wait3A_114, %dma_wait3A_115] : memref<32x84x120xi32, #tpu.memory_space<hbm>> -> memref<1x1x120xi32, #tpu.memory_space<hbm>>
      %dma_wait3A_117 = tpu.memref_squeeze %dma_wait3A_116 : memref<1x1x120xi32, #tpu.memory_space<hbm>> -> memref<120xi32, #tpu.memory_space<hbm>>
      %dma_wait3A_118 = arith.constant 0 : i32
      %dma_wait3A_119 = tpu.memref_slice %arg3[%add3A, %dma_wait3A_114, %dma_wait3A_118] : memref<32x84x120xi32, #tpu.memory_space<hbm>> -> memref<1x1x120xi32, #tpu.memory_space<hbm>>
      %dma_wait3A_120 = tpu.memref_squeeze %dma_wait3A_119 : memref<1x1x120xi32, #tpu.memory_space<hbm>> -> memref<120xi32, #tpu.memory_space<hbm>>
      tpu.wait_dma2 semaphore(%arg14 : memref<!tpu.dma_semaphore, #tpu.memory_space<semaphore_mem>>) src(%dma_wait3A_120 : memref<120xi32, #tpu.memory_space<hbm>>) dst(%arg10 : memref<120xi32, #tpu.memory_space<vmem>>)
      "tpu.region"() ({
        %run_scoped3A = tpu.sem_alloc : memref<!tpu.dma_semaphore, #tpu.memory_space<semaphore_mem>>
        %dma_start3A_135 = arith.constant 0 : i32
        %dma_start3A_136 = arith.constant 0 : i32
        %dma_start3A_137 = tpu.memref_slice %arg4[%dma_start3A_135, %dma_start3A_136] : memref<10000x128xf32, #tpu.memory_space<hbm>> -> memref<10000x128xf32, #tpu.memory_space<hbm>>
        tpu.enqueue_indirect_dma source(%dma_start3A_137 : memref<10000x128xf32, #tpu.memory_space<hbm>>) target(%arg11 : memref<120x128xf32, #tpu.memory_space<vmem>>) offsets(%arg8 : memref<120xi32, #tpu.memory_space<vmem>>) semaphore(%run_scoped3A : memref<!tpu.dma_semaphore, #tpu.memory_space<semaphore_mem>>)
        %dma_wait3A_138 = arith.constant 0 : i32
        %dma_wait3A_139 = arith.constant 0 : i32
        %dma_wait3A_140 = tpu.memref_slice %arg4[%dma_wait3A_138, %dma_wait3A_139] : memref<10000x128xf32, #tpu.memory_space<hbm>> -> memref<10000x128xf32, #tpu.memory_space<hbm>>
        tpu.wait_indirect_dma semaphore(%run_scoped3A : memref<!tpu.dma_semaphore, #tpu.memory_space<semaphore_mem>>) src(%dma_wait3A_140 : memref<10000x128xf32, #tpu.memory_space<hbm>>) dst(%arg11 : memref<120x128xf32, #tpu.memory_space<vmem>>)
        tpu.yield
      }) : () -> ()
      "tpu.region"() ({
        %run_scoped3A = tpu.sem_alloc : memref<!tpu.dma_semaphore, #tpu.memory_space<semaphore_mem>>
        %dma_start3A_135 = arith.constant 0 : i32
        %dma_start3A_136 = arith.constant 0 : i32
        %dma_start3A_137 = tpu.memref_slice %arg12[%dma_start3A_135, %dma_start3A_136] : memref<10240x128xf32, #tpu.memory_space<vmem_shared>> -> memref<10240x128xf32, #tpu.memory_space<vmem_shared>>
        tpu.enqueue_indirect_dma source(%arg11 : memref<120x128xf32, #tpu.memory_space<vmem>>) target(%dma_start3A_137 : memref<10240x128xf32, #tpu.memory_space<vmem_shared>>) offsets(%arg10 : memref<120xi32, #tpu.memory_space<vmem>>) semaphore(%run_scoped3A : memref<!tpu.dma_semaphore, #tpu.memory_space<semaphore_mem>>) {add = true}
        %dma_wait3A_138 = arith.constant 0 : i32
        %dma_wait3A_139 = arith.constant 0 : i32
        %dma_wait3A_140 = tpu.memref_slice %arg12[%dma_wait3A_138, %dma_wait3A_139] : memref<10240x128xf32, #tpu.memory_space<vmem_shared>> -> memref<10240x128xf32, #tpu.memory_space<vmem_shared>>
        tpu.wait_indirect_dma semaphore(%run_scoped3A : memref<!tpu.dma_semaphore, #tpu.memory_space<semaphore_mem>>) src(%arg11 : memref<120x128xf32, #tpu.memory_space<vmem>>) dst(%dma_wait3A_140 : memref<10240x128xf32, #tpu.memory_space<vmem_shared>>)
        tpu.yield
      }) : () -> ()
      %add3A_121 = arith.constant 2 : i32
      %add3A_122 = arith.addi %add3A_106, %add3A_121 : i32
      %dma_start3A_123 = arith.constant 0 : i32
      %dma_start3A_124 = tpu.memref_slice %arg2[%add3A, %add3A_122, %dma_start3A_123] : memref<32x84x120xi32, #tpu.memory_space<hbm>> -> memref<1x1x120xi32, #tpu.memory_space<hbm>>
      %dma_start3A_125 = tpu.memref_squeeze %dma_start3A_124 : memref<1x1x120xi32, #tpu.memory_space<hbm>> -> memref<120xi32, #tpu.memory_space<hbm>>
      %dma_start3A_126 = arith.constant 0 : i32
      %dma_start3A_127 = tpu.memref_slice %arg2[%add3A, %add3A_122, %dma_start3A_126] : memref<32x84x120xi32, #tpu.memory_space<hbm>> -> memref<1x1x120xi32, #tpu.memory_space<hbm>>
      %dma_start3A_128 = tpu.memref_squeeze %dma_start3A_127 : memref<1x1x120xi32, #tpu.memory_space<hbm>> -> memref<120xi32, #tpu.memory_space<hbm>>
      tpu.enqueue_dma source(%dma_start3A_128 : memref<120xi32, #tpu.memory_space<hbm>>) target(%arg8 : memref<120xi32, #tpu.memory_space<vmem>>) target_semaphore(%arg14 : memref<!tpu.dma_semaphore, #tpu.memory_space<semaphore_mem>>)
      %dma_start3A_129 = arith.constant 0 : i32
      %dma_start3A_130 = tpu.memref_slice %arg3[%add3A, %add3A_122, %dma_start3A_129] : memref<32x84x120xi32, #tpu.memory_space<hbm>> -> memref<1x1x120xi32, #tpu.memory_space<hbm>>
      %dma_start3A_131 = tpu.memref_squeeze %dma_start3A_130 : memref<1x1x120xi32, #tpu.memory_space<hbm>> -> memref<120xi32, #tpu.memory_space<hbm>>
      %dma_start3A_132 = arith.constant 0 : i32
      %dma_start3A_133 = tpu.memref_slice %arg3[%add3A, %add3A_122, %dma_start3A_132] : memref<32x84x120xi32, #tpu.memory_space<hbm>> -> memref<1x1x120xi32, #tpu.memory_space<hbm>>
      %dma_start3A_134 = tpu.memref_squeeze %dma_start3A_133 : memref<1x1x120xi32, #tpu.memory_space<hbm>> -> memref<120xi32, #tpu.memory_space<hbm>>
      tpu.enqueue_dma source(%dma_start3A_134 : memref<120xi32, #tpu.memory_space<hbm>>) target(%arg10 : memref<120xi32, #tpu.memory_space<vmem>>) target_semaphore(%arg14 : memref<!tpu.dma_semaphore, #tpu.memory_space<semaphore_mem>>)
    }
    %scan3A_36 = arith.constant 41 : i32
    %dma_wait3A = arith.constant 0 : i32
    %dma_wait3A_37 = arith.constant 0 : i32
    %dma_wait3A_38 = tpu.memref_slice %arg2[%add3A, %dma_wait3A, %dma_wait3A_37] : memref<32x84x120xi32, #tpu.memory_space<hbm>> -> memref<1x1x120xi32, #tpu.memory_space<hbm>>
    %dma_wait3A_39 = tpu.memref_squeeze %dma_wait3A_38 : memref<1x1x120xi32, #tpu.memory_space<hbm>> -> memref<120xi32, #tpu.memory_space<hbm>>
    %dma_wait3A_40 = arith.constant 0 : i32
    %dma_wait3A_41 = tpu.memref_slice %arg2[%add3A, %dma_wait3A, %dma_wait3A_40] : memref<32x84x120xi32, #tpu.memory_space<hbm>> -> memref<1x1x120xi32, #tpu.memory_space<hbm>>
    %dma_wait3A_42 = tpu.memref_squeeze %dma_wait3A_41 : memref<1x1x120xi32, #tpu.memory_space<hbm>> -> memref<120xi32, #tpu.memory_space<hbm>>
    tpu.wait_dma2 semaphore(%arg13 : memref<!tpu.dma_semaphore, #tpu.memory_space<semaphore_mem>>) src(%dma_wait3A_42 : memref<120xi32, #tpu.memory_space<hbm>>) dst(%arg7 : memref<120xi32, #tpu.memory_space<vmem>>)
    %dma_wait3A_43 = arith.constant 0 : i32
    %dma_wait3A_44 = arith.constant 0 : i32
    %dma_wait3A_45 = tpu.memref_slice %arg3[%add3A, %dma_wait3A_43, %dma_wait3A_44] : memref<32x84x120xi32, #tpu.memory_space<hbm>> -> memref<1x1x120xi32, #tpu.memory_space<hbm>>
    %dma_wait3A_46 = tpu.memref_squeeze %dma_wait3A_45 : memref<1x1x120xi32, #tpu.memory_space<hbm>> -> memref<120xi32, #tpu.memory_space<hbm>>
    %dma_wait3A_47 = arith.constant 0 : i32
    %dma_wait3A_48 = tpu.memref_slice %arg3[%add3A, %dma_wait3A_43, %dma_wait3A_47] : memref<32x84x120xi32, #tpu.memory_space<hbm>> -> memref<1x1x120xi32, #tpu.memory_space<hbm>>
    %dma_wait3A_49 = tpu.memref_squeeze %dma_wait3A_48 : memref<1x1x120xi32, #tpu.memory_space<hbm>> -> memref<120xi32, #tpu.memory_space<hbm>>
    tpu.wait_dma2 semaphore(%arg13 : memref<!tpu.dma_semaphore, #tpu.memory_space<semaphore_mem>>) src(%dma_wait3A_49 : memref<120xi32, #tpu.memory_space<hbm>>) dst(%arg9 : memref<120xi32, #tpu.memory_space<vmem>>)
    "tpu.region"() ({
      %run_scoped3A = tpu.sem_alloc : memref<!tpu.dma_semaphore, #tpu.memory_space<semaphore_mem>>
      %dma_start3A_72 = arith.constant 0 : i32
      %dma_start3A_73 = arith.constant 0 : i32
      %dma_start3A_74 = tpu.memref_slice %arg4[%dma_start3A_72, %dma_start3A_73] : memref<10000x128xf32, #tpu.memory_space<hbm>> -> memref<10000x128xf32, #tpu.memory_space<hbm>>
      tpu.enqueue_indirect_dma source(%dma_start3A_74 : memref<10000x128xf32, #tpu.memory_space<hbm>>) target(%arg11 : memref<120x128xf32, #tpu.memory_space<vmem>>) offsets(%arg7 : memref<120xi32, #tpu.memory_space<vmem>>) semaphore(%run_scoped3A : memref<!tpu.dma_semaphore, #tpu.memory_space<semaphore_mem>>)
      %dma_wait3A_75 = arith.constant 0 : i32
      %dma_wait3A_76 = arith.constant 0 : i32
      %dma_wait3A_77 = tpu.memref_slice %arg4[%dma_wait3A_75, %dma_wait3A_76] : memref<10000x128xf32, #tpu.memory_space<hbm>> -> memref<10000x128xf32, #tpu.memory_space<hbm>>
      tpu.wait_indirect_dma semaphore(%run_scoped3A : memref<!tpu.dma_semaphore, #tpu.memory_space<semaphore_mem>>) src(%dma_wait3A_77 : memref<10000x128xf32, #tpu.memory_space<hbm>>) dst(%arg11 : memref<120x128xf32, #tpu.memory_space<vmem>>)
      tpu.yield
    }) : () -> ()
    "tpu.region"() ({
      %run_scoped3A = tpu.sem_alloc : memref<!tpu.dma_semaphore, #tpu.memory_space<semaphore_mem>>
      %dma_start3A_72 = arith.constant 0 : i32
      %dma_start3A_73 = arith.constant 0 : i32
      %dma_start3A_74 = tpu.memref_slice %arg12[%dma_start3A_72, %dma_start3A_73] : memref<10240x128xf32, #tpu.memory_space<vmem_shared>> -> memref<10240x128xf32, #tpu.memory_space<vmem_shared>>
      tpu.enqueue_indirect_dma source(%arg11 : memref<120x128xf32, #tpu.memory_space<vmem>>) target(%dma_start3A_74 : memref<10240x128xf32, #tpu.memory_space<vmem_shared>>) offsets(%arg9 : memref<120xi32, #tpu.memory_space<vmem>>) semaphore(%run_scoped3A : memref<!tpu.dma_semaphore, #tpu.memory_space<semaphore_mem>>) {add = true}
      %dma_wait3A_75 = arith.constant 0 : i32
      %dma_wait3A_76 = arith.constant 0 : i32
      %dma_wait3A_77 = tpu.memref_slice %arg12[%dma_wait3A_75, %dma_wait3A_76] : memref<10240x128xf32, #tpu.memory_space<vmem_shared>> -> memref<10240x128xf32, #tpu.memory_space<vmem_shared>>
      tpu.wait_indirect_dma semaphore(%run_scoped3A : memref<!tpu.dma_semaphore, #tpu.memory_space<semaphore_mem>>) src(%arg11 : memref<120x128xf32, #tpu.memory_space<vmem>>) dst(%dma_wait3A_77 : memref<10240x128xf32, #tpu.memory_space<vmem_shared>>)
      tpu.yield
    }) : () -> ()
    %dma_wait3A_50 = arith.constant 0 : i32
    %dma_wait3A_51 = arith.constant 0 : i32
    %dma_wait3A_52 = tpu.memref_slice %arg2[%add3A, %dma_wait3A_50, %dma_wait3A_51] : memref<32x84x120xi32, #tpu.memory_space<hbm>> -> memref<1x1x120xi32, #tpu.memory_space<hbm>>
    %dma_wait3A_53 = tpu.memref_squeeze %dma_wait3A_52 : memref<1x1x120xi32, #tpu.memory_space<hbm>> -> memref<120xi32, #tpu.memory_space<hbm>>
    %dma_wait3A_54 = arith.constant 0 : i32
    %dma_wait3A_55 = tpu.memref_slice %arg2[%add3A, %dma_wait3A_50, %dma_wait3A_54] : memref<32x84x120xi32, #tpu.memory_space<hbm>> -> memref<1x1x120xi32, #tpu.memory_space<hbm>>
    %dma_wait3A_56 = tpu.memref_squeeze %dma_wait3A_55 : memref<1x1x120xi32, #tpu.memory_space<hbm>> -> memref<120xi32, #tpu.memory_space<hbm>>
    tpu.wait_dma2 semaphore(%arg14 : memref<!tpu.dma_semaphore, #tpu.memory_space<semaphore_mem>>) src(%dma_wait3A_56 : memref<120xi32, #tpu.memory_space<hbm>>) dst(%arg8 : memref<120xi32, #tpu.memory_space<vmem>>)
    %dma_wait3A_57 = arith.constant 0 : i32
    %dma_wait3A_58 = arith.constant 0 : i32
    %dma_wait3A_59 = tpu.memref_slice %arg3[%add3A, %dma_wait3A_57, %dma_wait3A_58] : memref<32x84x120xi32, #tpu.memory_space<hbm>> -> memref<1x1x120xi32, #tpu.memory_space<hbm>>
    %dma_wait3A_60 = tpu.memref_squeeze %dma_wait3A_59 : memref<1x1x120xi32, #tpu.memory_space<hbm>> -> memref<120xi32, #tpu.memory_space<hbm>>
    %dma_wait3A_61 = arith.constant 0 : i32
    %dma_wait3A_62 = tpu.memref_slice %arg3[%add3A, %dma_wait3A_57, %dma_wait3A_61] : memref<32x84x120xi32, #tpu.memory_space<hbm>> -> memref<1x1x120xi32, #tpu.memory_space<hbm>>
    %dma_wait3A_63 = tpu.memref_squeeze %dma_wait3A_62 : memref<1x1x120xi32, #tpu.memory_space<hbm>> -> memref<120xi32, #tpu.memory_space<hbm>>
    tpu.wait_dma2 semaphore(%arg14 : memref<!tpu.dma_semaphore, #tpu.memory_space<semaphore_mem>>) src(%dma_wait3A_63 : memref<120xi32, #tpu.memory_space<hbm>>) dst(%arg10 : memref<120xi32, #tpu.memory_space<vmem>>)
    "tpu.region"() ({
      %run_scoped3A = tpu.sem_alloc : memref<!tpu.dma_semaphore, #tpu.memory_space<semaphore_mem>>
      %dma_start3A_72 = arith.constant 0 : i32
      %dma_start3A_73 = arith.constant 0 : i32
      %dma_start3A_74 = tpu.memref_slice %arg4[%dma_start3A_72, %dma_start3A_73] : memref<10000x128xf32, #tpu.memory_space<hbm>> -> memref<10000x128xf32, #tpu.memory_space<hbm>>
      tpu.enqueue_indirect_dma source(%dma_start3A_74 : memref<10000x128xf32, #tpu.memory_space<hbm>>) target(%arg11 : memref<120x128xf32, #tpu.memory_space<vmem>>) offsets(%arg8 : memref<120xi32, #tpu.memory_space<vmem>>) semaphore(%run_scoped3A : memref<!tpu.dma_semaphore, #tpu.memory_space<semaphore_mem>>)
      %dma_wait3A_75 = arith.constant 0 : i32
      %dma_wait3A_76 = arith.constant 0 : i32
      %dma_wait3A_77 = tpu.memref_slice %arg4[%dma_wait3A_75, %dma_wait3A_76] : memref<10000x128xf32, #tpu.memory_space<hbm>> -> memref<10000x128xf32, #tpu.memory_space<hbm>>
      tpu.wait_indirect_dma semaphore(%run_scoped3A : memref<!tpu.dma_semaphore, #tpu.memory_space<semaphore_mem>>) src(%dma_wait3A_77 : memref<10000x128xf32, #tpu.memory_space<hbm>>) dst(%arg11 : memref<120x128xf32, #tpu.memory_space<vmem>>)
      tpu.yield
    }) : () -> ()
    "tpu.region"() ({
      %run_scoped3A = tpu.sem_alloc : memref<!tpu.dma_semaphore, #tpu.memory_space<semaphore_mem>>
      %dma_start3A_72 = arith.constant 0 : i32
      %dma_start3A_73 = arith.constant 0 : i32
      %dma_start3A_74 = tpu.memref_slice %arg12[%dma_start3A_72, %dma_start3A_73] : memref<10240x128xf32, #tpu.memory_space<vmem_shared>> -> memref<10240x128xf32, #tpu.memory_space<vmem_shared>>
      tpu.enqueue_indirect_dma source(%arg11 : memref<120x128xf32, #tpu.memory_space<vmem>>) target(%dma_start3A_74 : memref<10240x128xf32, #tpu.memory_space<vmem_shared>>) offsets(%arg10 : memref<120xi32, #tpu.memory_space<vmem>>) semaphore(%run_scoped3A : memref<!tpu.dma_semaphore, #tpu.memory_space<semaphore_mem>>) {add = true}
      %dma_wait3A_75 = arith.constant 0 : i32
      %dma_wait3A_76 = arith.constant 0 : i32
      %dma_wait3A_77 = tpu.memref_slice %arg12[%dma_wait3A_75, %dma_wait3A_76] : memref<10240x128xf32, #tpu.memory_space<vmem_shared>> -> memref<10240x128xf32, #tpu.memory_space<vmem_shared>>
      tpu.wait_indirect_dma semaphore(%run_scoped3A : memref<!tpu.dma_semaphore, #tpu.memory_space<semaphore_mem>>) src(%arg11 : memref<120x128xf32, #tpu.memory_space<vmem>>) dst(%dma_wait3A_77 : memref<10240x128xf32, #tpu.memory_space<vmem_shared>>)
      tpu.yield
    }) : () -> ()
    %barrier3A_64 = arith.constant 0 : index
    tpu.barrier barrier_id(%barrier3A_64)
    %mul3A_65 = arith.constant 640 : i32
    %mul3A_66 = arith.muli %arg1, %mul3A_65 : i32
    %mul3A_67 = arith.constant 10240 : i32
    %mul3A_68 = arith.muli %arg0, %mul3A_67 : i32
    %mul3A_69 = arith.constant 640 : i32
    %mul3A_70 = arith.muli %arg1, %mul3A_69 : i32
    %add3A_71 = arith.addi %mul3A_68, %mul3A_70 : i32
    "tpu.region"() ({
      %run_scoped3A = tpu.sem_alloc : memref<!tpu.dma_semaphore, #tpu.memory_space<semaphore_mem>>
      %dma_start3A_72 = arith.constant 0 : i32
      %dma_start3A_73 = tpu.memref_slice %arg6[%add3A_71, %dma_start3A_72] : memref<20480x128xf32, #tpu.memory_space<hbm>> -> memref<640x128xf32, #tpu.memory_space<hbm>>
      %dma_start3A_74 = arith.constant 0 : i32
      %dma_start3A_75 = tpu.memref_slice %arg12[%mul3A_66, %dma_start3A_74] : memref<10240x128xf32, #tpu.memory_space<vmem_shared>> -> memref<640x128xf32, #tpu.memory_space<vmem_shared>>
      tpu.enqueue_dma source(%dma_start3A_75 : memref<640x128xf32, #tpu.memory_space<vmem_shared>>) target(%dma_start3A_73 : memref<640x128xf32, #tpu.memory_space<hbm>>) target_semaphore(%run_scoped3A : memref<!tpu.dma_semaphore, #tpu.memory_space<semaphore_mem>>)
      %dma_wait3A_76 = arith.constant 0 : i32
      %dma_wait3A_77 = tpu.memref_slice %arg6[%add3A_71, %dma_wait3A_76] : memref<20480x128xf32, #tpu.memory_space<hbm>> -> memref<640x128xf32, #tpu.memory_space<hbm>>
      %dma_wait3A_78 = arith.constant 0 : i32
      %dma_wait3A_79 = tpu.memref_slice %arg12[%mul3A_66, %dma_wait3A_78] : memref<10240x128xf32, #tpu.memory_space<vmem_shared>> -> memref<640x128xf32, #tpu.memory_space<vmem_shared>>
      tpu.wait_dma2 semaphore(%run_scoped3A : memref<!tpu.dma_semaphore, #tpu.memory_space<semaphore_mem>>) src(%dma_wait3A_79 : memref<640x128xf32, #tpu.memory_space<vmem_shared>>) dst(%dma_wait3A_77 : memref<640x128xf32, #tpu.memory_space<hbm>>)
      tpu.yield
    }) : () -> ()
    return
  }
}

module attributes {stable_mosaic.version = 14 : i64} {
  func.func @body(%arg0: i32, %arg1: memref<1000x128xf32, #tpu.memory_space<vmem>>, %arg2: memref<128x128xf32, #tpu.memory_space<vmem>>, %arg3: memref<1000x1xf32, #tpu.memory_space<vmem>>, %arg4: memref<1000x1xf32, #tpu.memory_space<vmem>>, %arg5: memref<1000x128xf32, #tpu.memory_space<vmem>>) attributes {dimension_semantics = [#tpu.dimension_semantics<arbitrary>], iteration_bounds = array<i64: 10>, scalar_prefetch = 0 : i64, scratch_operands = 0 : i64, tpu.core_type = #tpu.core_type<tc>, window_params = [{transform_indices = @transform_0, window_bounds = array<i64: 1000, 128>}, {pipeline_mode = #tpu.pipeline_mode<synchronous>, transform_indices = @transform_1, window_bounds = array<i64: 128, 128>}, {transform_indices = @transform_2, window_bounds = array<i64: 1000, 1>}, {transform_indices = @transform_3, window_bounds = array<i64: 1000, 1>}, {transform_indices = @transform_4, window_bounds = array<i64: 1000, 128>}]} {
    %get3A = arith.constant 0 : index
    %get3A_0 = arith.constant 0 : index
    %get3A_1 = vector.load %arg3[%get3A, %get3A_0] : memref<1000x1xf32, #tpu.memory_space<vmem>>, vector<1000x1xf32>
    %get3A_2 = arith.constant 0 : index
    %get3A_3 = arith.constant 0 : index
    %get3A_4 = vector.load %arg4[%get3A_2, %get3A_3] : memref<1000x1xf32, #tpu.memory_space<vmem>>, vector<1000x1xf32>
    %add3A = arith.addf %get3A_1, %get3A_4 : vector<1000x1xf32>
    %add3A_5 = arith.constant 1.000000e+00 : f32
    %add3A_6 = vector.broadcast %add3A_5 : f32 to vector<1000x1xf32>
    %add3A_7 = arith.addf %add3A, %add3A_6 : vector<1000x1xf32>
    %rsqrt3A = math.rsqrt %add3A_7 : vector<1000x1xf32>
    %get3A_8 = arith.constant 0 : index
    %get3A_9 = arith.constant 0 : index
    %get3A_10 = vector.load %arg1[%get3A_8, %get3A_9] : memref<1000x128xf32, #tpu.memory_space<vmem>>, vector<1000x128xf32>
    %get3A_11 = arith.constant 0 : index
    %get3A_12 = arith.constant 0 : index
    %get3A_13 = vector.load %arg2[%get3A_11, %get3A_12] : memref<128x128xf32, #tpu.memory_space<vmem>>, vector<128x128xf32>
    %dot_general3A = arith.constant dense<0.000000e+00> : vector<1000x128xf32>
    %dot_general3A_14 = tpu.matmul %get3A_10, %get3A_13, %dot_general3A {dimension_numbers = #tpu.dot_dimension_numbers<[1], [0], [0], [1], [0, 0, 1, 1], [], []>, transpose_lhs_hint = false} : vector<1000x128xf32>, vector<128x128xf32>, vector<1000x128xf32> -> vector<1000x128xf32>
    %mul3A = vector.broadcast %rsqrt3A : vector<1000x1xf32> to vector<1000x128xf32>
    %mul3A_15 = arith.mulf %dot_general3A_14, %mul3A : vector<1000x128xf32>
    %swap3A = arith.constant 0 : index
    %swap3A_16 = arith.constant 0 : index
    %swap3A_17 = vector.load %arg5[%swap3A, %swap3A_16] : memref<1000x128xf32, #tpu.memory_space<vmem>>, vector<1000x128xf32>
    tpu.vector_store %arg5[%swap3A, %swap3A_16], %mul3A_15 {strides = array<i32>} : memref<1000x128xf32, #tpu.memory_space<vmem>>, vector<1000x128xf32>,
    return
  }
  func.func @transform_0(%arg0: i32) -> (i32, i32) {
    %c0_i32 = arith.constant 0 : i32
    %c0_i32_0 = arith.constant 0 : i32
    return %arg0, %c0_i32 : i32, i32
  }
  func.func @transform_1(%arg0: i32) -> (i32, i32) {
    %c0_i32 = arith.constant 0 : i32
    %c0_i32_0 = arith.constant 0 : i32
    %c0_i32_1 = arith.constant 0 : i32
    return %c0_i32, %c0_i32_0 : i32, i32
  }
  func.func @transform_2(%arg0: i32) -> (i32, i32) {
    %c0_i32 = arith.constant 0 : i32
    %c0_i32_0 = arith.constant 0 : i32
    return %arg0, %c0_i32 : i32, i32
  }
  func.func @transform_3(%arg0: i32) -> (i32, i32) {
    %c0_i32 = arith.constant 0 : i32
    %c0_i32_0 = arith.constant 0 : i32
    return %arg0, %c0_i32 : i32, i32
  }
  func.func @transform_4(%arg0: i32) -> (i32, i32) {
    %c0_i32 = arith.constant 0 : i32
    %c0_i32_0 = arith.constant 0 : i32
    return %arg0, %c0_i32 : i32, i32
  }
}

module attributes {stable_mosaic.version = 14 : i64} {
  func.func @body(%arg0: i32, %arg1: memref<1000x128xf32, #tpu.memory_space<vmem>>, %arg2: memref<1000x128xf32, #tpu.memory_space<vmem>>, %arg3: memref<1000x128xf32, #tpu.memory_space<vmem>>, %arg4: memref<1000x128xf32, #tpu.memory_space<vmem>>, %arg5: memref<1000x1xf32, #tpu.memory_space<vmem>>, %arg6: memref<1000x1xf32, #tpu.memory_space<vmem>>, %arg7: memref<1x128xf32, #tpu.memory_space<vmem>>, %arg8: memref<1x128xf32, #tpu.memory_space<vmem>>, %arg9: memref<1x128xf32, #tpu.memory_space<vmem>>, %arg10: memref<128x64xf32, #tpu.memory_space<vmem>>, %arg11: memref<1x64xf32, #tpu.memory_space<vmem>>, %arg12: memref<1000x64xf32, #tpu.memory_space<vmem>>) attributes {dimension_semantics = [#tpu.dimension_semantics<arbitrary>], iteration_bounds = array<i64: 10>, scalar_prefetch = 0 : i64, scratch_operands = 0 : i64, tpu.core_type = #tpu.core_type<tc>, window_params = [{transform_indices = @transform_0, window_bounds = array<i64: 1000, 128>}, {transform_indices = @transform_1, window_bounds = array<i64: 1000, 128>}, {transform_indices = @transform_2, window_bounds = array<i64: 1000, 128>}, {transform_indices = @transform_3, window_bounds = array<i64: 1000, 128>}, {transform_indices = @transform_4, window_bounds = array<i64: 1000, 1>}, {transform_indices = @transform_5, window_bounds = array<i64: 1000, 1>}, {pipeline_mode = #tpu.pipeline_mode<synchronous>, transform_indices = @transform_6, window_bounds = array<i64: 1, 128>}, {pipeline_mode = #tpu.pipeline_mode<synchronous>, transform_indices = @transform_7, window_bounds = array<i64: 1, 128>}, {pipeline_mode = #tpu.pipeline_mode<synchronous>, transform_indices = @transform_8, window_bounds = array<i64: 1, 128>}, {pipeline_mode = #tpu.pipeline_mode<synchronous>, transform_indices = @transform_9, window_bounds = array<i64: 128, 64>}, {pipeline_mode = #tpu.pipeline_mode<synchronous>, transform_indices = @transform_10, window_bounds = array<i64: 1, 64>}, {transform_indices = @transform_11, window_bounds = array<i64: 1000, 64>}]} {
    %get3A = arith.constant 0 : index
    %get3A_0 = arith.constant 0 : index
    %get3A_1 = vector.load %arg5[%get3A, %get3A_0] : memref<1000x1xf32, #tpu.memory_space<vmem>>, vector<1000x1xf32>
    %get3A_2 = arith.constant 0 : index
    %get3A_3 = arith.constant 0 : index
    %get3A_4 = vector.load %arg6[%get3A_2, %get3A_3] : memref<1000x1xf32, #tpu.memory_space<vmem>>, vector<1000x1xf32>
    %add3A = arith.addf %get3A_1, %get3A_4 : vector<1000x1xf32>
    %add3A_5 = arith.constant 1.000000e+00 : f32
    %add3A_6 = vector.broadcast %add3A_5 : f32 to vector<1000x1xf32>
    %add3A_7 = arith.addf %add3A, %add3A_6 : vector<1000x1xf32>
    %rsqrt3A = math.rsqrt %add3A_7 : vector<1000x1xf32>
    %get3A_8 = arith.constant 0 : index
    %get3A_9 = arith.constant 0 : index
    %get3A_10 = vector.load %arg1[%get3A_8, %get3A_9] : memref<1000x128xf32, #tpu.memory_space<vmem>>, vector<1000x128xf32>
    %get3A_11 = arith.constant 0 : index
    %get3A_12 = arith.constant 0 : index
    %get3A_13 = vector.load %arg2[%get3A_11, %get3A_12] : memref<1000x128xf32, #tpu.memory_space<vmem>>, vector<1000x128xf32>
    %add3A_14 = arith.addf %get3A_10, %get3A_13 : vector<1000x128xf32>
    %get3A_15 = arith.constant 0 : index
    %get3A_16 = arith.constant 0 : index
    %get3A_17 = vector.load %arg3[%get3A_15, %get3A_16] : memref<1000x128xf32, #tpu.memory_space<vmem>>, vector<1000x128xf32>
    %add3A_18 = arith.addf %add3A_14, %get3A_17 : vector<1000x128xf32>
    %mul3A = vector.broadcast %rsqrt3A : vector<1000x1xf32> to vector<1000x128xf32>
    %mul3A_19 = arith.mulf %add3A_18, %mul3A : vector<1000x128xf32>
    %get3A_20 = arith.constant 0 : index
    %get3A_21 = arith.constant 0 : index
    %get3A_22 = vector.load %arg7[%get3A_20, %get3A_21] : memref<1x128xf32, #tpu.memory_space<vmem>>, vector<1x128xf32>
    %add3A_23 = vector.broadcast %get3A_22 : vector<1x128xf32> to vector<1000x128xf32>
    %add3A_24 = arith.addf %mul3A_19, %add3A_23 : vector<1000x128xf32>
    %reduce_sum3A = arith.constant dense<0.000000e+00> : vector<1000xf32>
    %reduce_sum3A_25 = vector.multi_reduction <add>, %add3A_24, %reduce_sum3A [1] : vector<1000x128xf32> to vector<1000xf32>
    %broadcast_in_dim3A = vector.shape_cast %reduce_sum3A_25 : vector<1000xf32> to vector<1000x1xf32>
    %div3A = arith.constant 1.280000e+02 : f32
    %div3A_26 = vector.broadcast %div3A : f32 to vector<1000x1xf32>
    %div3A_27 = arith.divf %broadcast_in_dim3A, %div3A_26 : vector<1000x1xf32>
    %sub3A = vector.broadcast %div3A_27 : vector<1000x1xf32> to vector<1000x128xf32>
    %sub3A_28 = arith.subf %add3A_24, %sub3A : vector<1000x128xf32>
    %mul3A_29 = arith.mulf %sub3A_28, %sub3A_28 : vector<1000x128xf32>
    %reduce_sum3A_30 = arith.constant dense<0.000000e+00> : vector<1000xf32>
    %reduce_sum3A_31 = vector.multi_reduction <add>, %mul3A_29, %reduce_sum3A_30 [1] : vector<1000x128xf32> to vector<1000xf32>
    %broadcast_in_dim3A_32 = vector.shape_cast %reduce_sum3A_31 : vector<1000xf32> to vector<1000x1xf32>
    %div3A_33 = arith.constant 1.280000e+02 : f32
    %div3A_34 = vector.broadcast %div3A_33 : f32 to vector<1000x1xf32>
    %div3A_35 = arith.divf %broadcast_in_dim3A_32, %div3A_34 : vector<1000x1xf32>
    %add3A_36 = arith.constant 9.99999974E-6 : f32
    %add3A_37 = vector.broadcast %add3A_36 : f32 to vector<1000x1xf32>
    %add3A_38 = arith.addf %div3A_35, %add3A_37 : vector<1000x1xf32>
    %rsqrt3A_39 = math.rsqrt %add3A_38 : vector<1000x1xf32>
    %mul3A_40 = vector.broadcast %rsqrt3A_39 : vector<1000x1xf32> to vector<1000x128xf32>
    %mul3A_41 = arith.mulf %sub3A_28, %mul3A_40 : vector<1000x128xf32>
    %get3A_42 = arith.constant 0 : index
    %get3A_43 = arith.constant 0 : index
    %get3A_44 = vector.load %arg8[%get3A_42, %get3A_43] : memref<1x128xf32, #tpu.memory_space<vmem>>, vector<1x128xf32>
    %mul3A_45 = vector.broadcast %get3A_44 : vector<1x128xf32> to vector<1000x128xf32>
    %mul3A_46 = arith.mulf %mul3A_41, %mul3A_45 : vector<1000x128xf32>
    %get3A_47 = arith.constant 0 : index
    %get3A_48 = arith.constant 0 : index
    %get3A_49 = vector.load %arg9[%get3A_47, %get3A_48] : memref<1x128xf32, #tpu.memory_space<vmem>>, vector<1x128xf32>
    %add3A_50 = vector.broadcast %get3A_49 : vector<1x128xf32> to vector<1000x128xf32>
    %add3A_51 = arith.addf %mul3A_46, %add3A_50 : vector<1000x128xf32>
    %max3A = arith.constant 0.000000e+00 : f32
    %max3A_52 = vector.broadcast %max3A : f32 to vector<1000x128xf32>
    %max3A_53 = arith.maximumf %add3A_51, %max3A_52 : vector<1000x128xf32>
    %get3A_54 = arith.constant 0 : index
    %get3A_55 = arith.constant 0 : index
    %get3A_56 = vector.load %arg4[%get3A_54, %get3A_55] : memref<1000x128xf32, #tpu.memory_space<vmem>>, vector<1000x128xf32>
    %mul3A_57 = arith.mulf %max3A_53, %get3A_56 : vector<1000x128xf32>
    %get3A_58 = arith.constant 0 : index
    %get3A_59 = arith.constant 0 : index
    %get3A_60 = vector.load %arg10[%get3A_58, %get3A_59] : memref<128x64xf32, #tpu.memory_space<vmem>>, vector<128x64xf32>
    %dot_general3A = arith.constant dense<0.000000e+00> : vector<1000x64xf32>
    %dot_general3A_61 = tpu.matmul %mul3A_57, %get3A_60, %dot_general3A {dimension_numbers = #tpu.dot_dimension_numbers<[1], [0], [0], [1], [0, 0, 1, 1], [], []>, transpose_lhs_hint = false} : vector<1000x128xf32>, vector<128x64xf32>, vector<1000x64xf32> -> vector<1000x64xf32>
    %get3A_62 = arith.constant 0 : index
    %get3A_63 = arith.constant 0 : index
    %get3A_64 = vector.load %arg11[%get3A_62, %get3A_63] : memref<1x64xf32, #tpu.memory_space<vmem>>, vector<1x64xf32>
    %add3A_65 = vector.broadcast %get3A_64 : vector<1x64xf32> to vector<1000x64xf32>
    %add3A_66 = arith.addf %dot_general3A_61, %add3A_65 : vector<1000x64xf32>
    %swap3A = arith.constant 0 : index
    %swap3A_67 = arith.constant 0 : index
    %swap3A_68 = vector.load %arg12[%swap3A, %swap3A_67] : memref<1000x64xf32, #tpu.memory_space<vmem>>, vector<1000x64xf32>
    tpu.vector_store %arg12[%swap3A, %swap3A_67], %add3A_66 {strides = array<i32>} : memref<1000x64xf32, #tpu.memory_space<vmem>>, vector<1000x64xf32>,
    return
  }
  func.func @transform_0(%arg0: i32) -> (i32, i32) {
    %c0_i32 = arith.constant 0 : i32
    %c0_i32_0 = arith.constant 0 : i32
    return %arg0, %c0_i32 : i32, i32
  }
  func.func @transform_1(%arg0: i32) -> (i32, i32) {
    %c0_i32 = arith.constant 0 : i32
    %c0_i32_0 = arith.constant 0 : i32
    return %arg0, %c0_i32 : i32, i32
  }
  func.func @transform_2(%arg0: i32) -> (i32, i32) {
    %c0_i32 = arith.constant 0 : i32
    %c0_i32_0 = arith.constant 0 : i32
    return %arg0, %c0_i32 : i32, i32
  }
  func.func @transform_3(%arg0: i32) -> (i32, i32) {
    %c0_i32 = arith.constant 0 : i32
    %c0_i32_0 = arith.constant 0 : i32
    return %arg0, %c0_i32 : i32, i32
  }
  func.func @transform_4(%arg0: i32) -> (i32, i32) {
    %c0_i32 = arith.constant 0 : i32
    %c0_i32_0 = arith.constant 0 : i32
    return %arg0, %c0_i32 : i32, i32
  }
  func.func @transform_5(%arg0: i32) -> (i32, i32) {
    %c0_i32 = arith.constant 0 : i32
    %c0_i32_0 = arith.constant 0 : i32
    return %arg0, %c0_i32 : i32, i32
  }
  func.func @transform_6(%arg0: i32) -> (i32, i32) {
    %c0_i32 = arith.constant 0 : i32
    %c0_i32_0 = arith.constant 0 : i32
    %c0_i32_1 = arith.constant 0 : i32
    return %c0_i32, %c0_i32_0 : i32, i32
  }
  func.func @transform_7(%arg0: i32) -> (i32, i32) {
    %c0_i32 = arith.constant 0 : i32
    %c0_i32_0 = arith.constant 0 : i32
    %c0_i32_1 = arith.constant 0 : i32
    return %c0_i32, %c0_i32_0 : i32, i32
  }
  func.func @transform_8(%arg0: i32) -> (i32, i32) {
    %c0_i32 = arith.constant 0 : i32
    %c0_i32_0 = arith.constant 0 : i32
    %c0_i32_1 = arith.constant 0 : i32
    return %c0_i32, %c0_i32_0 : i32, i32
  }
  func.func @transform_9(%arg0: i32) -> (i32, i32) {
    %c0_i32 = arith.constant 0 : i32
    %c0_i32_0 = arith.constant 0 : i32
    %c0_i32_1 = arith.constant 0 : i32
    return %c0_i32, %c0_i32_0 : i32, i32
  }
  func.func @transform_10(%arg0: i32) -> (i32, i32) {
    %c0_i32 = arith.constant 0 : i32
    %c0_i32_0 = arith.constant 0 : i32
    %c0_i32_1 = arith.constant 0 : i32
    return %c0_i32, %c0_i32_0 : i32, i32
  }
  func.func @transform_11(%arg0: i32) -> (i32, i32) {
    %c0_i32 = arith.constant 0 : i32
    %c0_i32_0 = arith.constant 0 : i32
    return %arg0, %c0_i32 : i32, i32
  }
}

</mosaic_0001>

<sc_bundles>
// kernel: kernel.6.cloned.1.call-start
scs
__scs_entry_jumppad:
0x0: {  	(pc) =	sbr.rel $0x88, $3  }
0x1: {  	(tag) =	ssettag $0x0;
	lr =	simm.s32 $0x1  }
0x2: {  	[smem:$0x3F99] =	sst lr;
	_ =	strace $0xD0000000  }
0x3: {  	_ = 	snop  }
0x4: {  	_ = 	snop  }
0x5: {  	_ = 	snop  }
0x6: {  	_ = 	snop  }
0x7: {  	_ = 	snop  }
__scs_overlays_trampoline_lowered:
0x8: {  	[smem:$0x3FA8] =	sst s0  }
0x9: {  	[smem:$0x3FA9] =	sst s1  }
0xa: {  	[smem:$0x3FAA] =	sst s2  }
0xb: {  	[smem:$0x3FAB] =	sst s3  }
0xc: {  	[smem:$0x3FAC] =	sst s4  }
0xd: {  	[smem:$0x3FAD] =	sst s5  }
0xe: {  	[smem:$0x3FAE] =	sst s6  }
0xf: {  	[smem:$0x3FAF] =	sst s7  }
0x10: {  	[smem:$0x3FB0] =	sst s8  }
0x11: {  	[smem:$0x3FB1] =	sst s9;
	s0 =	simm.s32 @!p0 $0x0  }
0x12: {  	s1 =	sld [smem:$0x3F97];
	s0 =	simm.s32 @p0 $0x1  }
0x13: {  	[smem:$0x3FB2] =	sst s0;
	s0 =	simm.s32 @!p1 $0x0  }
0x14: {  	s2 =	sld [smem:$0x3F96];
	s0 =	simm.s32 @p1 $0x1  }
0x15: {  	[smem:$0x3FB3] =	sst s0;
	s0 =	simm.s32 @!p2 $0x0  }
0x16: {  	s3 =	sld [smem:$0x3FDB];
	s0 =	simm.s32 @p2 $0x1  }
0x17: {  	s4 =	simm.s32 $0x1BF5;
	[smem:$0x3FB5] =	sst s0  }
0x18: {  	s0 =	sld [smem:$0x3F98];
	_ =	swait.ge [sflag:s4], $0x0  }
0x19: {  	s7 =	sld [smem:$0x3F99]  }
0x1a: {  	s8 =	sadd.s32 $0xFFFFE003, lr  }
0x1b: {  	s9 =	sadd.s32 $0xFFFFFEF7, lr;
	s5 =	simm.s32 $0xFFFFFFFF;
	p2 =	slt.u32 s8, $0xFFFFF086  }
0x1c: {  	p1 =	slt.u32 s9, $0xF7A;
	s5 =	simm.s32 @!p2 $0x0  }
0x1d: {  	s5 =	simm.s32 @p1 $0x1;
	p0 =	seq.s32 s7, s2  }
0x1e: {  	s7 =	smul.u32 @!p0 $0xF7A, s2;
	p2 =	seq.s32 @!p0 s5, $0x0  }
0x1f: {  	s9 =	smul.u32 $0xF7A, s1;
	s8 =	simm.s32 @!p0 $0x1BF5;
	p2 =	por !p2, p0  }
0x20: {  	[sflag:s8] =	ssyncset.s32 @!p0 $0xFFFFF086;
	s6 =	sadd.s32 @!p0 s3, s7;
	s7 =	simm.s32 @!p0 $0x108  }
0x21: {  	s3 =	sadd.s32 s3, s9;
	s6 =	sadd.s32 @!p0 $0x88, s6;
	s7 =	simm.s32 @p2 $0x1082  }
0x22: {  	[simem:s7], [sflag:s8] =	dma.local @!p0 [hbm:s6], $0xF7A  }
0x23: {  	s9 =	sor.u32 $0xD0000000, s2;
	s6 =	simm.s32 $0x108;
	_ =	swait.ge @!p0 [sflag:s8], $0x0  }
0x24: {  	s3 =	sadd.s32 $0x88, s3;
	s6 =	simm.s32 @!p1 $0x1082;
	[sflag:s4] =	ssyncset.s32 $0xFFFFF086  }
0x25: {  	[simem:s6], [sflag:s4] =	dma.local [hbm:s3], $0xF7A  }
0x26: {  	[smem:$0x3F99] =	sst s1;
	(tag) =	ssettag s2;
	_ =	strace s9  }
0x27: {  	s1 =	sld [smem:$0x3FA9]  }
0x28: {  	s2 =	sld [smem:$0x3FAA]  }
0x29: {  	s4 =	sld [smem:$0x3FAC]  }
0x2a: {  	p0 =	seq.s32 s5, $0x0;
	s5 =	sld [smem:$0x3FAD]  }
0x2b: {  	s6 =	sld [smem:$0x3FAE]  }
0x2c: {  	s7 =	sld [smem:$0x3FAF]  }
0x2d: {  	s3 =	simm.s32 $0x108;
	s8 =	sld [smem:$0x3FB0]  }
0x2e: {  	s3 =	simm.s32 @!p0 $0x1082;
	s9 =	sld [smem:$0x3FB1]  }
0x2f: {  	lr =	sadd.s32 s0, s3;
	s0 =	sld [smem:$0x3FA8]  }
0x30: {  	s3 =	sld [smem:$0x3FAB]  }
0x31: {  	[smem:$0x3FB4] =	sst s10  }
0x32: {  	s10 =	sld [smem:$0x3FB2];
	_ =	sdelay $0x3  }
0x33: {  	p0 =	seq.s32 s10, $0x1;
	s10 =	sld [smem:$0x3FB4];
	_ =	sdelay $0x3  }
0x34: {  	[smem:$0x3FB4] =	sst s10  }
0x35: {  	s10 =	sld [smem:$0x3FB3];
	_ =	sdelay $0x3  }
0x36: {  	p1 =	seq.s32 s10, $0x1;
	s10 =	sld [smem:$0x3FB4];
	_ =	sdelay $0x3  }
0x37: {  	[smem:$0x3FB4] =	sst s10  }
0x38: {  	s10 =	sld [smem:$0x3FB5]  }
0x39: {  	_ = 	snop;
	(pc) =	sbr.ind lr, $3  }
0x3a: {  	_ = 	snop  }
0x3b: {  	_ = 	snop  }
0x3c: {  	p2 =	seq.s32 s10, $0x1;
	s10 =	sld [smem:$0x3FB4]  }
0x3d: {  	_ =	shalt  }
0x3e: {  	_ =	shalt  }
0x3f: {  	_ =	shalt  }
0x40: {  	_ =	shalt  }
0x41: {  	_ =	shalt  }
0x42: {  	_ =	shalt  }
0x43: {  	_ =	shalt  }
0x44: {  	_ =	shalt  }
0x45: {  	_ =	shalt  }
0x46: {  	_ =	shalt  }
0x47: {  	_ =	shalt  }
0x48: {  	_ =	shalt  }
0x49: {  	_ =	shalt  }
0x4a: {  	_ =	shalt  }
0x4b: {  	_ =	shalt  }
0x4c: {  	_ =	shalt  }
0x4d: {  	_ =	shalt  }
0x4e: {  	_ =	shalt  }
0x4f: {  	_ =	shalt  }
0x50: {  	_ =	shalt  }
0x51: {  	_ =	shalt  }
0x52: {  	_ =	shalt  }
0x53: {  	_ =	shalt  }
0x54: {  	_ =	shalt  }
0x55: {  	_ =	shalt  }
0x56: {  	_ =	shalt  }
0x57: {  	_ =	shalt  }
0x58: {  	_ =	shalt  }
0x59: {  	_ =	shalt  }
0x5a: {  	_ =	shalt  }
0x5b: {  	_ =	shalt  }
0x5c: {  	_ =	shalt  }
0x5d: {  	_ =	shalt  }
0x5e: {  	_ =	shalt  }
0x5f: {  	_ =	shalt  }
0x60: {  	_ =	shalt  }
0x61: {  	_ =	shalt  }
0x62: {  	_ =	shalt  }
0x63: {  	_ =	shalt  }
0x64: {  	_ =	shalt  }
0x65: {  	_ =	shalt  }
0x66: {  	_ =	shalt  }
0x67: {  	_ =	shalt  }
0x68: {  	_ =	shalt  }
0x69: {  	_ =	shalt  }
0x6a: {  	_ =	shalt  }
0x6b: {  	_ =	shalt  }
0x6c: {  	_ =	shalt  }
0x6d: {  	_ =	shalt  }
0x6e: {  	_ =	shalt  }
0x6f: {  	_ =	shalt  }
0x70: {  	_ =	shalt  }
0x71: {  	_ =	shalt  }
0x72: {  	_ =	shalt  }
0x73: {  	_ =	shalt  }
0x74: {  	_ =	shalt  }
0x75: {  	_ =	shalt  }
0x76: {  	_ =	shalt  }
0x77: {  	_ =	shalt  }
0x78: {  	_ =	shalt  }
0x79: {  	_ =	shalt  }
0x7a: {  	_ =	shalt  }
0x7b: {  	_ =	shalt  }
0x7c: {  	_ =	shalt  }
0x7d: {  	_ =	shalt  }
0x7e: {  	_ =	shalt  }
0x7f: {  	_ =	shalt  }
0x80: {  	_ =	shalt  }
0x81: {  	_ =	shalt  }
0x82: {  	_ =	shalt  }
0x83: {  	_ =	shalt  }
0x84: {  	_ =	shalt  }
0x85: {  	_ =	shalt  }
0x86: {  	_ =	shalt  }
0x87: {  	_ =	shalt  }
.Lfunc_end0:
.L_simem_size_0:
called_computation_lowered:
.L_overlay_start_0:
0x88: {  	s2 =	sld [smem:$0x3FD9]  }
0x89: {  	s3 =	sld [smem:$0x3FFE];
	_ =	sdelay $0x1  }
0x8a: {  	s1 =	srdreg.scid  }
0x8b: {  	s0 =	sand.u32 $0x1, s1  }
0x8c: {  	s16 =	sshll.u32 s0, $0xA;
	s2 =	sadd.s32 s3, s2  }
0x8d: {  	s2 =	sadd.s32 s2, s16  }
0x8e: {  	[smem:$0x3FC0] =	sst s2  }
0x8f: {  	_ = 	snop  }
0x90: {  	(tm) =	ssettm $0x1  }
0x91: {  	s17 =	sld [smem:$0x3FFB];
	_ =	sdelay $0x3  }
0x92: {  	_ =	strace s17  }
0x93: {  	s2 =	sld [smem:$0x3FFC];
	_ =	sdelay $0x3  }
0x94: {  	_ =	strace s2  }
0x95: {  	s2 =	sld [smem:$0x3FFD];
	_ =	sdelay $0x3  }
0x96: {  	_ =	strace s2  }
0x97: {  	_ =	strace $0x8FFFFFFF  }
0x98: {  	s18 =	sld [smem:$0x3FDB];
	_ =	sdelay $0x1  }
0x99: {  	s19 =	simm.s32 $_scs_section_size  }
0x9a: {  	s4 =	simm.s32 $_size__tile_overlayer_lowered;
	s5 =	simm.s32 $_tile_overlayer_lowered  }
0x9b: {  	s22 =	simm.s32 $0x1BFF;
	s21 =	sshll.u32 s5, $0x1;
	s2 =	sadd.s32 s19, s18  }
0x9c: {  	s6 =	simm.s32 $0x0;
	s20 =	sshll.u32 s4, $0x1;
	s4 =	sadd.s32 s21, s2  }
0x9d: {  	[timem:s6], [sflag:s22] =	dma.local [hbm:s4], s20  }
0x9e: {  	_ =	swait.ge [sflag:s22], s20  }
0x9f: {  	s3 =	ssub.s32 $0x0, s20;
	[sflag:s22] =	ssyncset.done $0x0  }
0xa0: {  	[sflag:s22] =	ssyncadd.s32 s3;
	_ =	sdelay $0x1  }
0xa1: {  	s23 =	simm.s32 $0x1B8B  }
0xa2: {  	_ =	swait.ge [sflag:s23], $0x1  }
0xa3: {  	[sflag:s23] =	ssyncset.done $0x0  }
0xa4: {  	s25 =	simm.s32 $0x1B8E;
	s24 =	sld [smem:$0x3FFE];
	[sflag:s23] =	ssyncadd.s32 $0xFFFFFFFF  }
0xa5: {  	s26 =	simm.s32 $execute0_lowered;
	[smem:$0x3FD2] =	sst s25  }
0xa6: {  	s4 =	sshll.u32 s26, $0x1;
	_ =	strace $0x80000046;
	[dreg:$0x1] =	wrdreg $0xFFFFFFFF  }
0xa7: {  	s28 =	simm.s32 $_size_execute0_lowered;
	s2 =	sadd.s32 s2, s4;
	[dreg:$0x0] =	wrdreg $0x0  }
0xa8: {  	s4 =	sshll.u32 s28, $0x1;
	[dreg:$0x2] =	wrdreg s2  }
0xa9: {  	[dreg:$0x3] =	wrdreg s4  }
0xaa: {  	[dreg:$0x4] =	wrdreg $0xC0  }
0xab: {  	_ =	task [dreg:s6], $0x5FFFF  }
0xac: {  	[dreg:$0x1] =	wrdreg $0xFFFFFFFF  }
0xad: {  	[dreg:$0x0] =	wrdreg $0x60  }
0xae: {  	[dreg:$0x2] =	wrdreg s24  }
0xaf: {  	[dreg:$0x3] =	wrdreg $0x3D000  }
0xb0: {  	[dreg:$0x4] =	wrdreg $0x9  }
0xb1: {  	_ =	task.clear_ibuf [dreg:s6], $0x5FFFF;
	_ =	strace $0x90000046  }
0xb2: {  	s29 =	simm.s32 $0x9;
	_ =	strace $0x80000048  }
0xb3: {  	_ =	swait.ge [sflag:s29], $0x1  }
0xb4: {  	[sflag:s29] =	ssyncadd.s32 $0xFFFFFFFF  }
0xb5: {  	_ =	strace $0x90000048  }
0xb6: {  	_ =	sfence  }
0xb7: {  	s30 =	sld [smem:$0x0];
	_ =	sdelay $0x2  }
0xb8: {  	s31 =	sshll.u32 s1, $0xD;
	s1 =	sshrl.u32 s1, $0x2  }
0xb9: {  	s3 =	sand.u32 $0x4000, s31;
	s1 =	sadd.s32 s1, s30  }
0xba: {  	s0 =	sor.u32 s3, s0;
	s1 =	sshll.u32 s1, $0x11  }
0xbb: {  	s0 =	sor.u32 s1, s0  }
0xbc: {  	s0 =	sadd.s32 $0x8F2B, s0  }
0xbd: {  	[sflag:s0] =	ssyncadd.remote.s32 $0x1  }
0xbe: {  	_ =	sfence.sel $0xFFFF  }
0xbf: {  	[dreg:$0x0] =	wrdreg $0xFFFFFFFF;
	(pc) =	sbr.abs _section_cstart, $3  }
0xc0: {  	[dreg:$0x1] =	wrdreg $0xFFFFFFFF  }
0xc1: {  	_ =	task.clear_ibuf [dreg:s6], $0x2FFFF;
	_ =	strace $0x9FFFFFFF  }
0xc2: {  	(tm) =	ssettm $0x7FFFFFFF  }
0xc3: {  	_ =	shalt  }
tec
execute0_lowered:
.L_overlay_start_1:
0x0: {  	(tag) =	ssettag $0x1  }
0x1: {  	s7 =	rddreg [dreg:$0x0]  }
0x2: {  	s1 =	rddreg [dreg:$0x1]  }
0x3: {  	s0 =	rddreg [dreg:$0x2];
	s3 =	simm.s32 $0x0;
	s2 =	stileid.u32  }
0x4: {  	s5 =	srdreg.scid;
	s15 =	simm.s32 $0x100;
	s16 =	simm.s32 $0x80  }
0x5: {  	s17 =	simm.s32 $0x1;
	s18 =	simm.s32 $0x78;
	s19 =	simm.s32 $0x2  }
0x6: {  	s20 =	simm.s32 $0x0;
	[smem:$0x7FF] =	sst s3;
	s4 =	sadd.s32 $0x2600, s7  }
0x7: {  	s6 =	smul.u32 $0x2800, s2;
	s8 =	sand.u32 $0x1, s5;
	s5 =	sadd.s32 $0x35600, s7  }
0x8: {  	s10 =	sshll.u32 s2, $0x1;
	s12 =	smul.u32 $0x50000, s2;
	s31 =	sshll.u32 s2, $0x6  }
0x9: {  	s9 =	smul.u32 $0x28000, s8;
	s10 =	sor.u32 s8, s10;
	s8 =	ssub.s32 $0x2, s8  }
0xa: {  	_ =	strace $0x80000047;
	s11 =	sadd.s32 s6, s7;
	s26 =	sshrl.u32 s8, $0x1  }
0xb: {  	s28 =	sshrl.u32 s12, $0x2;
	s9 =	sadd.s32 s6, s9;
	s6 =	smul.u32 $0x2C00, s10  }
0xc: {  	s29 =	ssub.s32 s8, s26;
	s14 =	sadd.s32 s28, s1;
	s13 =	sadd.s32 s9, s7  }
0xd: {  	s7 =	sadd.s32 $0xD600, s11;
	s9 =	sor.u32 $0x1C03, s31;
	s30 =	sshrl.u32 s6, $0x3  }
0xe: {  	s12 =	smax.u32 s29, $0x1;
	s11 =	sadd.s32 $0x35E00, s13;
	s8 =	sadd.s32 s4, s30  }
0xf: {  	s13 =	sshrl.u32 s14, $0x3;
	s14 =	simm.s32 $0x3;
	s10 =	sadd.s32 $0x10, s8  }
.LBB2_1:
0x10: {  	[spmem:s13], [sflag:s9] =	dma.local [hbm:s7], $0x2800  }
0x11: {  	_ =	swait.ge [sflag:s14], $0x2800  }
0x12: {  	[sflag:s14] =	ssyncset.done $0x0  }
0x13: {  	[sflag:s14] =	ssyncadd.s32 $0xFFFFD800  }
0x14: {  	[tilespmem:s15], [sflag:$0x3] =	stream.linear.gather [hbm4b:s5+s3], $0x3C00, $0x38;
	[tilespmem:$0x17D00] =	vst v63  }
0x15: {  	_ =	swait.ge [sflag:s14], $0x3C00  }
0x16: {  	[sflag:s14] =	ssyncset.done $0x0  }
0x17: {  	[sflag:s14] =	ssyncadd.s32 $0xFFFFC400  }
0x18: {  	[bflag:$0x0] =	sbarrier.arrive $0xFFFF  }
0x19: {  	[tilespmem:s3], [sflag:$0x1] =	stream.linear.gather [hbm4b:s8+s3], $0x80, $0x38;
	[tilespmem:$0x17D00] =	vst v63  }
0x1a: {  	_ = 	snop  }
0x1b: {  	[tilespmem:s16], [sflag:$0x2] =	stream.linear.gather [hbm4b:s10+s3], $0x80, $0x38;
	[tilespmem:$0x17D00] =	vst v63  }
0x1c: {  	s21 =	simm.s32 $0x100;
	_ =	swait.ge [sflag:s17], $0x80  }
0x1d: {  	s22 =	sand.u32 $0x7C00, s21;
	[sflag:s17] =	ssyncset.done $0x0  }
0x1e: {  	s21 =	sand.u32 $0x300, s21;
	s22 =	sadd.s32 s6, s22;
	[sflag:s17] =	ssyncadd.s32 $0xFFFFFF80  }
0x1f: {  	[spmem:s1] =	stream.indirect.scatter.add.f32 [tilespmem:s15], [sflag:$0x3], $0x80, s3, s18, $0xb8;
	[tilespmem:$0x17D00] =	vst v63  }
0x20: {  	s21 =	sor.u32 s21, s22;
	_ =	swait.ge [sflag:s14], $0x3C00  }
0x21: {  	s21 =	sshrl.u32 s21, $0x3;
	[sflag:s14] =	ssyncset.done $0x0  }
0x22: {  	s21 =	sadd.s32 s4, s21;
	[sflag:s14] =	ssyncadd.s32 $0xFFFFC400  }
0x23: {  	[tilespmem:s3], [sflag:$0x1] =	stream.linear.gather [hbm4b:s21+s3], $0x80, $0x38;
	[tilespmem:$0x17D00] =	vst v63  }
0x24: {  	s30 =	simm.s32 $0x180;
	_ =	swait.ge [sflag:s19], $0x80  }
0x25: {  	s31 =	sand.u32 $0x7C00, s30;
	[sflag:s19] =	ssyncset.done $0x0  }
0x26: {  	s22 =	sadd.s32 s6, s31;
	s21 =	sand.u32 $0x380, s30;
	[sflag:s19] =	ssyncadd.s32 $0xFFFFFF80  }
0x27: {  	[spmem:s1] =	stream.indirect.scatter.add.f32 [tilespmem:s15], [sflag:$0x3], $0x80, s16, s18, $0xb8;
	[tilespmem:$0x17D00] =	vst v63  }
0x28: {  	s22 =	sor.u32 s21, s22;
	_ =	swait.ge [sflag:s14], $0x3C00  }
0x29: {  	s21 =	simm.s32 $0x280;
	s22 =	sshrl.u32 s22, $0x3;
	[sflag:s14] =	ssyncset.done $0x0  }
.LBB2_2:
0x2a: {  	p0 =	sne.s32 s21, $0x2980  }
0x2b: {  	[sflag:s14] =	ssyncadd.s32 $0xFFFFC400;
	s22 =	sadd.s32 s4, s22;
	s23 =	smov.u32 s21  }
0x2c: {  	[tilespmem:s16], [sflag:$0x2] =	stream.linear.gather [hbm4b:s22+s3], $0x80, $0x38;
	[tilespmem:$0x17D00] =	vst v63  }
0x2d: {  	s21 =	sadd.s32 $0x100, s21;
	s22 =	sadd.s32 $0xFFFFFF80, s23;
	_ =	swait.ge [sflag:s17], $0x80  }
0x2e: {  	s24 =	sand.u32 $0x7C00, s22;
	s22 =	sand.u32 $0x300, s22;
	[sflag:s17] =	ssyncset.done $0x0  }
0x2f: {  	s24 =	sadd.s32 s6, s24;
	[sflag:s17] =	ssyncadd.s32 $0xFFFFFF80  }
0x30: {  	[spmem:s1] =	stream.indirect.scatter.add.f32 [tilespmem:s15], [sflag:$0x3], $0x80, s3, s18, $0xb8;
	[tilespmem:$0x17D00] =	vst v63  }
0x31: {  	s22 =	sor.u32 s22, s24;
	_ =	swait.ge [sflag:s14], $0x3C00  }
0x32: {  	s22 =	sshrl.u32 s22, $0x3;
	[sflag:s14] =	ssyncset.done $0x0  }
0x33: {  	s22 =	sadd.s32 s4, s22;
	[sflag:s14] =	ssyncadd.s32 $0xFFFFC400  }
0x34: {  	[tilespmem:s3], [sflag:$0x1] =	stream.linear.gather [hbm4b:s22+s3], $0x80, $0x38;
	[tilespmem:$0x17D00] =	vst v63  }
0x35: {  	_ =	swait.ge [sflag:s19], $0x80  }
.Ltmp0:
0x36: {  	s22 =	sand.u32 $0x7C00, s23;
	[sflag:s19] =	ssyncset.done $0x0;
	(pc) =	sbr.rel @p0 .LBB2_2-.Ltmp0, $4  }
0x37: {  	s23 =	sand.u32 $0x380, s23;
	s22 =	sadd.s32 s6, s22;
	[sflag:s19] =	ssyncadd.s32 $0xFFFFFF80  }
0x38: {  	[spmem:s1] =	stream.indirect.scatter.add.f32 [tilespmem:s15], [sflag:$0x3], $0x80, s16, s18, $0xb8;
	[tilespmem:$0x17D00] =	vst v63  }
0x39: {  	s22 =	sor.u32 s23, s22;
	_ =	swait.ge [sflag:s14], $0x3C00  }
0x3a: {  	s22 =	sshrl.u32 s22, $0x3;
	[sflag:s14] =	ssyncset.done $0x0  }
0x3b: {  	[sflag:s14] =	ssyncadd.s32 $0xFFFFC400;
	s21 =	sadd.s32 s4, s22  }
0x3c: {  	[tilespmem:s16], [sflag:$0x2] =	stream.linear.gather [hbm4b:s21+s3], $0x80, $0x38;
	[tilespmem:$0x17D00] =	vst v63  }
0x3d: {  	_ =	swait.ge [sflag:s17], $0x80  }
0x3e: {  	[sflag:s17] =	ssyncset.done $0x0  }
0x3f: {  	[sflag:s17] =	ssyncadd.s32 $0xFFFFFF80  }
0x40: {  	[spmem:s1] =	stream.indirect.scatter.add.f32 [tilespmem:s15], [sflag:$0x3], $0x80, s3, s18, $0xb8;
	[tilespmem:$0x17D00] =	vst v63  }
0x41: {  	_ =	swait.ge [sflag:s14], $0x3C00  }
0x42: {  	[sflag:s14] =	ssyncset.done $0x0  }
0x43: {  	[sflag:s14] =	ssyncadd.s32 $0xFFFFC400  }
0x44: {  	_ =	swait.ge [sflag:s19], $0x80  }
0x45: {  	[sflag:s19] =	ssyncset.done $0x0  }
0x46: {  	[sflag:s19] =	ssyncadd.s32 $0xFFFFFF80  }
0x47: {  	[spmem:s1] =	stream.indirect.scatter.add.f32 [tilespmem:s15], [sflag:$0x3], $0x80, s16, s18, $0xb8;
	[tilespmem:$0x17D00] =	vst v63  }
0x48: {  	_ =	swait.ge [sflag:s14], $0x3C00  }
0x49: {  	s20 =	sadd.s32 $0x1, s20;
	[sflag:s14] =	ssyncset.done $0x0  }
0x4a: {  	p0 =	sne.s32 s20, s12;
	[sflag:s14] =	ssyncadd.s32 $0xFFFFC400  }
.Ltmp1:
0x4b: {  	[bflag:$0x0] =	sbarrier.arrive $0xFFFF;
	(pc) =	sbr.rel @p0 .LBB2_1-.Ltmp1, $4  }
0x4c: {  	[hbm:s11], [sflag:s9] =	dma.local [spmem:s13], $0x2800  }
0x4d: {  	_ =	swait.ge [sflag:s14], $0x2800  }
0x4e: {  	[sflag:s14] =	ssyncset.done $0x0  }
0x4f: {  	[sflag:s14] =	ssyncadd.s32 $0xFFFFD800  }
0x50: {  	_ =	sfence.sel $0x180000  }
0x51: {  	[bflag:$0x0] =	sbarrier.arrive $0xFFFF  }
0x52: {  	p0 =	sne.s32 s2, $0x0;
	_ =	strace $0x90000047  }
0x53: {  	s0 =	sadd.s32 @!p0 $0x100000, s0;
	[bflag:$0x2] =	sbarrier.arrive $0xFFFF  }
0x54: {  	[sflag:s0] =	ssyncadd.tile.s32 @!p0 $0x1;
	_ =	shalt  }
.Lfunc_end2:
_tile_overlayer_lowered:
.L_overlay_start_2:
0x55: {  	(tag) =	ssettag $0x2  }
0x56: {  	s0 =	rddreg [dreg:$0x0];
	s2 =	stileid.u32  }
0x57: {  	s1 =	rddreg [dreg:$0x1];
	p0 =	sne.s32 s2, $0x0  }
0x58: {  	s3 =	rddreg [dreg:$0x2];
	[bflag:$0x3] =	sbarrier.arrive $0xFFFF;
	s2 =	simm.s32 @!p0 $0x1C03  }
0x59: {  	[timem:s3], [sflag:s2] =	dma.local @!p0 [hbm:s0], s1  }
0x5a: {  	s0 =	simm.s32 @!p0 $0x3  }
0x5b: {  	_ =	swait.ge @!p0 [sflag:s0], s1  }
0x5c: {  	s1 =	ssub.s32 @!p0 $0x0, s1;
	[sflag:s0] =	ssyncset.done @!p0 $0x0  }
0x5d: {  	[sflag:s0] =	ssyncadd.s32 @!p0 s1  }
0x5e: {  	[bflag:$0x3] =	sbarrier.arrive $0xFFFF  }
0x5f: {  	_ =	shalt  }

// kernel: kernel.9.cloned.1.call-start
scs
__scs_entry_jumppad:
0x0: {  	(pc) =	sbr.rel $0x88, $3  }
0x1: {  	(tag) =	ssettag $0x0;
	lr =	simm.s32 $0x1  }
0x2: {  	[smem:$0x3F99] =	sst lr;
	_ =	strace $0xD0000000  }
0x3: {  	_ = 	snop  }
0x4: {  	_ = 	snop  }
0x5: {  	_ = 	snop  }
0x6: {  	_ = 	snop  }
0x7: {  	_ = 	snop  }
__scs_overlays_trampoline_lowered:
0x8: {  	[smem:$0x3FA8] =	sst s0  }
0x9: {  	[smem:$0x3FA9] =	sst s1  }
0xa: {  	[smem:$0x3FAA] =	sst s2  }
0xb: {  	[smem:$0x3FAB] =	sst s3  }
0xc: {  	[smem:$0x3FAC] =	sst s4  }
0xd: {  	[smem:$0x3FAD] =	sst s5  }
0xe: {  	[smem:$0x3FAE] =	sst s6  }
0xf: {  	[smem:$0x3FAF] =	sst s7  }
0x10: {  	[smem:$0x3FB0] =	sst s8  }
0x11: {  	[smem:$0x3FB1] =	sst s9;
	s0 =	simm.s32 @!p0 $0x0  }
0x12: {  	s1 =	sld [smem:$0x3F97];
	s0 =	simm.s32 @p0 $0x1  }
0x13: {  	[smem:$0x3FB2] =	sst s0;
	s0 =	simm.s32 @!p1 $0x0  }
0x14: {  	s2 =	sld [smem:$0x3F96];
	s0 =	simm.s32 @p1 $0x1  }
0x15: {  	[smem:$0x3FB3] =	sst s0;
	s0 =	simm.s32 @!p2 $0x0  }
0x16: {  	s3 =	sld [smem:$0x3FDB];
	s0 =	simm.s32 @p2 $0x1  }
0x17: {  	s4 =	simm.s32 $0x1BF5;
	[smem:$0x3FB5] =	sst s0  }
0x18: {  	s0 =	sld [smem:$0x3F98];
	_ =	swait.ge [sflag:s4], $0x0  }
0x19: {  	s7 =	sld [smem:$0x3F99]  }
0x1a: {  	s8 =	sadd.s32 $0xFFFFE003, lr  }
0x1b: {  	s9 =	sadd.s32 $0xFFFFFEF7, lr;
	s5 =	simm.s32 $0xFFFFFFFF;
	p2 =	slt.u32 s8, $0xFFFFF086  }
0x1c: {  	p1 =	slt.u32 s9, $0xF7A;
	s5 =	simm.s32 @!p2 $0x0  }
0x1d: {  	s5 =	simm.s32 @p1 $0x1;
	p0 =	seq.s32 s7, s2  }
0x1e: {  	s7 =	smul.u32 @!p0 $0xF7A, s2;
	p2 =	seq.s32 @!p0 s5, $0x0  }
0x1f: {  	s9 =	smul.u32 $0xF7A, s1;
	s8 =	simm.s32 @!p0 $0x1BF5;
	p2 =	por !p2, p0  }
0x20: {  	[sflag:s8] =	ssyncset.s32 @!p0 $0xFFFFF086;
	s6 =	sadd.s32 @!p0 s3, s7;
	s7 =	simm.s32 @!p0 $0x108  }
0x21: {  	s3 =	sadd.s32 s3, s9;
	s6 =	sadd.s32 @!p0 $0x88, s6;
	s7 =	simm.s32 @p2 $0x1082  }
0x22: {  	[simem:s7], [sflag:s8] =	dma.local @!p0 [hbm:s6], $0xF7A  }
0x23: {  	s9 =	sor.u32 $0xD0000000, s2;
	s6 =	simm.s32 $0x108;
	_ =	swait.ge @!p0 [sflag:s8], $0x0  }
0x24: {  	s3 =	sadd.s32 $0x88, s3;
	s6 =	simm.s32 @!p1 $0x1082;
	[sflag:s4] =	ssyncset.s32 $0xFFFFF086  }
0x25: {  	[simem:s6], [sflag:s4] =	dma.local [hbm:s3], $0xF7A  }
0x26: {  	[smem:$0x3F99] =	sst s1;
	(tag) =	ssettag s2;
	_ =	strace s9  }
0x27: {  	s1 =	sld [smem:$0x3FA9]  }
0x28: {  	s2 =	sld [smem:$0x3FAA]  }
0x29: {  	s4 =	sld [smem:$0x3FAC]  }
0x2a: {  	p0 =	seq.s32 s5, $0x0;
	s5 =	sld [smem:$0x3FAD]  }
0x2b: {  	s6 =	sld [smem:$0x3FAE]  }
0x2c: {  	s7 =	sld [smem:$0x3FAF]  }
0x2d: {  	s3 =	simm.s32 $0x108;
	s8 =	sld [smem:$0x3FB0]  }
0x2e: {  	s3 =	simm.s32 @!p0 $0x1082;
	s9 =	sld [smem:$0x3FB1]  }
0x2f: {  	lr =	sadd.s32 s0, s3;
	s0 =	sld [smem:$0x3FA8]  }
0x30: {  	s3 =	sld [smem:$0x3FAB]  }
0x31: {  	[smem:$0x3FB4] =	sst s10  }
0x32: {  	s10 =	sld [smem:$0x3FB2];
	_ =	sdelay $0x3  }
0x33: {  	p0 =	seq.s32 s10, $0x1;
	s10 =	sld [smem:$0x3FB4];
	_ =	sdelay $0x3  }
0x34: {  	[smem:$0x3FB4] =	sst s10  }
0x35: {  	s10 =	sld [smem:$0x3FB3];
	_ =	sdelay $0x3  }
0x36: {  	p1 =	seq.s32 s10, $0x1;
	s10 =	sld [smem:$0x3FB4];
	_ =	sdelay $0x3  }
0x37: {  	[smem:$0x3FB4] =	sst s10  }
0x38: {  	s10 =	sld [smem:$0x3FB5]  }
0x39: {  	_ = 	snop;
	(pc) =	sbr.ind lr, $3  }
0x3a: {  	_ = 	snop  }
0x3b: {  	_ = 	snop  }
0x3c: {  	p2 =	seq.s32 s10, $0x1;
	s10 =	sld [smem:$0x3FB4]  }
0x3d: {  	_ =	shalt  }
0x3e: {  	_ =	shalt  }
0x3f: {  	_ =	shalt  }
0x40: {  	_ =	shalt  }
0x41: {  	_ =	shalt  }
0x42: {  	_ =	shalt  }
0x43: {  	_ =	shalt  }
0x44: {  	_ =	shalt  }
0x45: {  	_ =	shalt  }
0x46: {  	_ =	shalt  }
0x47: {  	_ =	shalt  }
0x48: {  	_ =	shalt  }
0x49: {  	_ =	shalt  }
0x4a: {  	_ =	shalt  }
0x4b: {  	_ =	shalt  }
0x4c: {  	_ =	shalt  }
0x4d: {  	_ =	shalt  }
0x4e: {  	_ =	shalt  }
0x4f: {  	_ =	shalt  }
0x50: {  	_ =	shalt  }
0x51: {  	_ =	shalt  }
0x52: {  	_ =	shalt  }
0x53: {  	_ =	shalt  }
0x54: {  	_ =	shalt  }
0x55: {  	_ =	shalt  }
0x56: {  	_ =	shalt  }
0x57: {  	_ =	shalt  }
0x58: {  	_ =	shalt  }
0x59: {  	_ =	shalt  }
0x5a: {  	_ =	shalt  }
0x5b: {  	_ =	shalt  }
0x5c: {  	_ =	shalt  }
0x5d: {  	_ =	shalt  }
0x5e: {  	_ =	shalt  }
0x5f: {  	_ =	shalt  }
0x60: {  	_ =	shalt  }
0x61: {  	_ =	shalt  }
0x62: {  	_ =	shalt  }
0x63: {  	_ =	shalt  }
0x64: {  	_ =	shalt  }
0x65: {  	_ =	shalt  }
0x66: {  	_ =	shalt  }
0x67: {  	_ =	shalt  }
0x68: {  	_ =	shalt  }
0x69: {  	_ =	shalt  }
0x6a: {  	_ =	shalt  }
0x6b: {  	_ =	shalt  }
0x6c: {  	_ =	shalt  }
0x6d: {  	_ =	shalt  }
0x6e: {  	_ =	shalt  }
0x6f: {  	_ =	shalt  }
0x70: {  	_ =	shalt  }
0x71: {  	_ =	shalt  }
0x72: {  	_ =	shalt  }
0x73: {  	_ =	shalt  }
0x74: {  	_ =	shalt  }
0x75: {  	_ =	shalt  }
0x76: {  	_ =	shalt  }
0x77: {  	_ =	shalt  }
0x78: {  	_ =	shalt  }
0x79: {  	_ =	shalt  }
0x7a: {  	_ =	shalt  }
0x7b: {  	_ =	shalt  }
0x7c: {  	_ =	shalt  }
0x7d: {  	_ =	shalt  }
0x7e: {  	_ =	shalt  }
0x7f: {  	_ =	shalt  }
0x80: {  	_ =	shalt  }
0x81: {  	_ =	shalt  }
0x82: {  	_ =	shalt  }
0x83: {  	_ =	shalt  }
0x84: {  	_ =	shalt  }
0x85: {  	_ =	shalt  }
0x86: {  	_ =	shalt  }
0x87: {  	_ =	shalt  }
.Lfunc_end0:
.L_simem_size_0:
called_computation.1_lowered:
.L_overlay_start_0:
0x88: {  	s2 =	sld [smem:$0x3FD9]  }
0x89: {  	s3 =	sld [smem:$0x3FFE];
	_ =	sdelay $0x1  }
0x8a: {  	s1 =	srdreg.scid  }
0x8b: {  	s0 =	sand.u32 $0x1, s1  }
0x8c: {  	s17 =	sshll.u32 s0, $0xA;
	s2 =	sadd.s32 s3, s2  }
0x8d: {  	s2 =	sadd.s32 s2, s17  }
0x8e: {  	[smem:$0x3FC0] =	sst s2  }
0x8f: {  	_ = 	snop  }
0x90: {  	s2 =	sld [smem:$0x3FD0];
	(tm) =	ssettm $0x1  }
0x91: {  	s18 =	sld [smem:$0x3FFB];
	_ =	sdelay $0x3  }
0x92: {  	_ =	strace s18  }
0x93: {  	s3 =	sld [smem:$0x3FFC];
	_ =	sdelay $0x3  }
0x94: {  	_ =	strace s3  }
0x95: {  	s3 =	sld [smem:$0x3FFD];
	_ =	sdelay $0x3  }
0x96: {  	_ =	strace s3  }
0x97: {  	_ =	strace $0x8FFFFFFF  }
0x98: {  	s19 =	sld [smem:$0x3FDB];
	_ =	sdelay $0x1  }
0x99: {  	s4 =	simm.s32 $_scs_section_size  }
0x9a: {  	s5 =	simm.s32 $_size__tile_overlayer_lowered;
	s6 =	simm.s32 $_tile_overlayer_lowered  }
0x9b: {  	s22 =	simm.s32 $0x1BFF;
	s21 =	sshll.u32 s6, $0x1;
	s3 =	sadd.s32 s4, s19  }
0x9c: {  	s7 =	simm.s32 $0x0;
	s20 =	sshll.u32 s5, $0x1;
	s5 =	sadd.s32 s21, s3  }
0x9d: {  	[timem:s7], [sflag:s22] =	dma.local [hbm:s5], s20  }
0x9e: {  	_ =	swait.ge [sflag:s22], s20  }
0x9f: {  	s4 =	ssub.s32 $0x0, s20;
	[sflag:s22] =	ssyncset.done $0x0  }
0xa0: {  	[sflag:s22] =	ssyncadd.s32 s4;
	_ =	sdelay $0x1  }
0xa1: {  	s23 =	simm.s32 $0x1B8B  }
0xa2: {  	_ =	swait.ge [sflag:s23], $0x1  }
0xa3: {  	[sflag:s23] =	ssyncset.done $0x0  }
0xa4: {  	s25 =	simm.s32 $0x1B8E;
	s24 =	sld [smem:$0x3FFE];
	[sflag:s23] =	ssyncadd.s32 $0xFFFFFFFF  }
0xa5: {  	s26 =	simm.s32 $execute0_lowered;
	[smem:$0x3FD2] =	sst s25  }
0xa6: {  	s5 =	sshll.u32 s26, $0x1;
	_ =	strace $0x80000049;
	[dreg:$0x1] =	wrdreg $0xFFFFFFFF  }
0xa7: {  	s28 =	simm.s32 $_size_execute0_lowered;
	s3 =	sadd.s32 s3, s5;
	[dreg:$0x0] =	wrdreg $0x0  }
0xa8: {  	s5 =	sshll.u32 s28, $0x1;
	[dreg:$0x2] =	wrdreg s3  }
0xa9: {  	[dreg:$0x3] =	wrdreg s5  }
0xaa: {  	[dreg:$0x4] =	wrdreg $0xC0  }
0xab: {  	_ =	task [dreg:s7], $0x5FFFF  }
0xac: {  	[dreg:$0x1] =	wrdreg $0xFFFFFFFF  }
0xad: {  	[dreg:$0x0] =	wrdreg $0x60  }
0xae: {  	[dreg:$0x2] =	wrdreg s2  }
0xaf: {  	[dreg:$0x3] =	wrdreg s24  }
0xb0: {  	[dreg:$0x4] =	wrdreg $0x3E000  }
0xb1: {  	[dreg:$0x5] =	wrdreg $0x9  }
0xb2: {  	_ =	task.clear_ibuf [dreg:s7], $0x6FFFF;
	_ =	strace $0x90000049  }
0xb3: {  	s29 =	simm.s32 $0x9;
	_ =	strace $0x8000004B  }
0xb4: {  	_ =	swait.ge [sflag:s29], $0x1  }
0xb5: {  	[sflag:s29] =	ssyncadd.s32 $0xFFFFFFFF  }
0xb6: {  	_ =	strace $0x9000004B  }
0xb7: {  	_ =	sfence  }
0xb8: {  	s30 =	sld [smem:$0x0];
	_ =	sdelay $0x2  }
0xb9: {  	s31 =	sshll.u32 s1, $0xD;
	s1 =	sshrl.u32 s1, $0x2  }
0xba: {  	s3 =	sand.u32 $0x4000, s31;
	s1 =	sadd.s32 s1, s30  }
0xbb: {  	s0 =	sor.u32 s3, s0;
	s1 =	sshll.u32 s1, $0x11  }
0xbc: {  	s0 =	sor.u32 s1, s0  }
0xbd: {  	s0 =	sadd.s32 $0x8F2B, s0  }
0xbe: {  	[sflag:s0] =	ssyncadd.remote.s32 $0x1  }
0xbf: {  	_ =	sfence.sel $0xFFFF  }
0xc0: {  	[dreg:$0x0] =	wrdreg $0xFFFFFFFF;
	(pc) =	sbr.abs _section_cstart, $3  }
0xc1: {  	[dreg:$0x1] =	wrdreg $0xFFFFFFFF  }
0xc2: {  	_ =	task.clear_ibuf [dreg:s7], $0x2FFFF;
	_ =	strace $0x9FFFFFFF  }
0xc3: {  	(tm) =	ssettm $0x7FFFFFFF  }
tec
execute0_lowered:
.L_overlay_start_1:
0x0: {  	(tag) =	ssettag $0x1  }
0x1: {  	s1 =	rddreg [dreg:$0x0]  }
0x2: {  	s8 =	rddreg [dreg:$0x1]  }
0x3: {  	s3 =	rddreg [dreg:$0x2]  }
0x4: {  	s0 =	rddreg [dreg:$0x3];
	s4 =	simm.s32 $0x0  }
0x5: {  	s2 =	stileid.u32;
	s5 =	srdreg.scid;
	s18 =	simm.s32 $0x100  }
0x6: {  	s19 =	simm.s32 $0x80;
	s20 =	simm.s32 $0x1;
	s21 =	simm.s32 $0x78  }
0x7: {  	s22 =	simm.s32 $0x200;
	s23 =	simm.s32 $0x2;
	s24 =	simm.s32 $0x180  }
0x8: {  	s25 =	simm.s32 $0x0;
	[smem:$0x7FF] =	sst s4;
	s7 =	smul.u32 $0x2800, s2  }
0x9: {  	s9 =	sand.u32 $0x1, s5;
	s5 =	sadd.s32 $0x2600, s8;
	s6 =	sadd.s32 $0x83A00, s8  }
0xa: {  	s12 =	smul.u32 $0x50000, s2;
	s13 =	sshll.u32 s2, $0x1;
	s29 =	sshll.u32 s2, $0x6  }
0xb: {  	_ =	strace $0x8000004A;
	s10 =	smul.u32 $0x28000, s9;
	s14 =	ssub.s32 $0x2, s9  }
0xc: {  	s26 =	sor.u32 s9, s13;
	s11 =	sadd.s32 s7, s8;
	s28 =	sshrl.u32 s14, $0x1  }
0xd: {  	s12 =	sshrl.u32 s12, $0x2;
	s10 =	sadd.s32 s7, s10;
	s7 =	smul.u32 $0x2C00, s26  }
0xe: {  	s9 =	sor.u32 $0x1C03, s29;
	s16 =	ssub.s32 s14, s28;
	s17 =	sadd.s32 s12, s3  }
0xf: {  	s15 =	sadd.s32 s10, s8;
	s8 =	sadd.s32 $0xD600, s11;
	s30 =	sshrl.u32 s7, $0x3  }
0x10: {  	s14 =	sadd.s32 $0xAAC00, s15;
	s15 =	smax.u32 s16, $0x1;
	s16 =	sshrl.u32 s17, $0x3  }
0x11: {  	s17 =	simm.s32 $0x3;
	s10 =	sadd.s32 s1, s30;
	s31 =	sor.u32 $0x10, s30  }
0x12: {  	s11 =	sadd.s32 s5, s30;
	s12 =	sadd.s32 s1, s31;
	s13 =	sadd.s32 s5, s31  }
.LBB2_1:
0x13: {  	[spmem:s16], [sflag:s9] =	dma.local [hbm:s8], $0x2800  }
0x14: {  	_ =	swait.ge [sflag:s17], $0x2800  }
0x15: {  	[sflag:s17] =	ssyncset.done $0x0  }
0x16: {  	[sflag:s17] =	ssyncadd.s32 $0xFFFFD800  }
0x17: {  	[bflag:$0x0] =	sbarrier.arrive $0xFFFF  }
0x18: {  	[tilespmem:s4], [sflag:$0x1] =	stream.linear.gather [hbm4b:s10+s4], $0x80, $0x38;
	[tilespmem:$0x17E00] =	vst v63  }
0x19: {  	_ = 	snop  }
0x1a: {  	[tilespmem:s18], [sflag:$0x1] =	stream.linear.gather [hbm4b:s11+s4], $0x80, $0x38;
	[tilespmem:$0x17E00] =	vst v63  }
0x1b: {  	_ = 	snop  }
0x1c: {  	[tilespmem:s19], [sflag:$0x2] =	stream.linear.gather [hbm4b:s12+s4], $0x80, $0x38;
	[tilespmem:$0x17E00] =	vst v63  }
0x1d: {  	_ = 	snop  }
0x1e: {  	[tilespmem:s24], [sflag:$0x2] =	stream.linear.gather [hbm4b:s13+s4], $0x80, $0x38;
	[tilespmem:$0x17E00] =	vst v63  }
0x1f: {  	_ =	swait.ge [sflag:s20], $0x80  }
0x20: {  	[sflag:s20] =	ssyncset.done $0x0  }
0x21: {  	[sflag:s20] =	ssyncadd.s32 $0xFFFFFF80  }
0x22: {  	_ =	swait.ge [sflag:s20], $0x80  }
0x23: {  	[sflag:s20] =	ssyncset.done $0x0  }
0x24: {  	[sflag:s20] =	ssyncadd.s32 $0xFFFFFF80  }
0x25: {  	[tilespmem:s22], [sflag:$0x3] =	stream.indirect.gather [hbm4b:s6+s21], $0x80, s4, s21, $0xb8;
	[tilespmem:$0x17E00] =	vst v63  }
0x26: {  	s26 =	simm.s32 $0x100;
	_ =	swait.ge [sflag:s17], $0x3C00  }
0x27: {  	s28 =	sand.u32 $0x7C00, s26;
	[sflag:s17] =	ssyncset.done $0x0  }
0x28: {  	s26 =	sand.u32 $0x300, s26;
	s28 =	sadd.s32 s7, s28;
	[sflag:s17] =	ssyncadd.s32 $0xFFFFC400  }
0x29: {  	[spmem:s3] =	stream.indirect.scatter.add.f32 [tilespmem:s22], [sflag:$0x3], $0x80, s18, s21, $0xb8;
	[tilespmem:$0x17E00] =	vst v63  }
0x2a: {  	s26 =	sor.u32 s26, s28;
	_ =	swait.ge [sflag:s17], $0x3C00  }
0x2b: {  	s26 =	sshrl.u32 s26, $0x3;
	[sflag:s17] =	ssyncset.done $0x0  }
0x2c: {  	s31 =	sadd.s32 s1, s26;
	[sflag:s17] =	ssyncadd.s32 $0xFFFFC400  }
0x2d: {  	[tilespmem:s4], [sflag:$0x1] =	stream.linear.gather [hbm4b:s31+s4], $0x80, $0x38;
	[tilespmem:$0x17E00] =	vst v63  }
0x2e: {  	s26 =	sadd.s32 s5, s26  }
0x2f: {  	[tilespmem:s18], [sflag:$0x1] =	stream.linear.gather [hbm4b:s26+s4], $0x80, $0x38;
	[tilespmem:$0x17E00] =	vst v63  }
0x30: {  	_ =	swait.ge [sflag:s23], $0x80  }
0x31: {  	[sflag:s23] =	ssyncset.done $0x0  }
0x32: {  	[sflag:s23] =	ssyncadd.s32 $0xFFFFFF80  }
0x33: {  	_ =	swait.ge [sflag:s23], $0x80  }
0x34: {  	[sflag:s23] =	ssyncset.done $0x0  }
0x35: {  	[sflag:s23] =	ssyncadd.s32 $0xFFFFFF80  }
0x36: {  	[tilespmem:s22], [sflag:$0x3] =	stream.indirect.gather [hbm4b:s6+s21], $0x80, s19, s21, $0xb8;
	[tilespmem:$0x17E00] =	vst v63  }
0x37: {  	_ =	swait.ge [sflag:s17], $0x3C00  }
0x38: {  	s30 =	sand.u32 $0x7C00, s24;
	[sflag:s17] =	ssyncset.done $0x0  }
0x39: {  	s31 =	sand.u32 $0x380, s24;
	s26 =	sadd.s32 s7, s30;
	[sflag:s17] =	ssyncadd.s32 $0xFFFFC400  }
0x3a: {  	[spmem:s3] =	stream.indirect.scatter.add.f32 [tilespmem:s22], [sflag:$0x3], $0x80, s24, s21, $0xb8;
	[tilespmem:$0x17E00] =	vst v63  }
0x3b: {  	s26 =	sor.u32 s31, s26;
	_ =	swait.ge [sflag:s17], $0x3C00  }
0x3c: {  	s28 =	sshrl.u32 s26, $0x3;
	[sflag:s17] =	ssyncset.done $0x0  }
0x3d: {  	s26 =	sadd.s32 s1, s28;
	[sflag:s17] =	ssyncadd.s32 $0xFFFFC400  }
0x3e: {  	[tilespmem:s19], [sflag:$0x2] =	stream.linear.gather [hbm4b:s26+s4], $0x80, $0x38;
	[tilespmem:$0x17E00] =	vst v63  }
0x3f: {  	s29 =	sadd.s32 s5, s28;
	s26 =	simm.s32 $0x280  }
.LBB2_2:
0x40: {  	p0 =	sne.s32 s26, $0x2980;
	s28 =	smov.u32 s26;
	s26 =	sadd.s32 $0x100, s26  }
0x41: {  	[tilespmem:s24], [sflag:$0x2] =	stream.linear.gather [hbm4b:s29+s4], $0x80, $0x38;
	[tilespmem:$0x17E00] =	vst v63  }
0x42: {  	_ =	swait.ge [sflag:s20], $0x80  }
0x43: {  	[sflag:s20] =	ssyncset.done $0x0  }
0x44: {  	[sflag:s20] =	ssyncadd.s32 $0xFFFFFF80  }
0x45: {  	_ =	swait.ge [sflag:s20], $0x80  }
0x46: {  	[sflag:s20] =	ssyncset.done $0x0  }
0x47: {  	[sflag:s20] =	ssyncadd.s32 $0xFFFFFF80  }
0x48: {  	[tilespmem:s22], [sflag:$0x3] =	stream.indirect.gather [hbm4b:s6+s21], $0x80, s4, s21, $0xb8;
	[tilespmem:$0x17E00] =	vst v63  }
0x49: {  	_ =	swait.ge [sflag:s17], $0x3C00  }
0x4a: {  	s29 =	sadd.s32 $0xFFFFFF80, s28;
	[sflag:s17] =	ssyncset.done $0x0  }
0x4b: {  	s30 =	sand.u32 $0x7C00, s29;
	s29 =	sand.u32 $0x300, s29;
	[sflag:s17] =	ssyncadd.s32 $0xFFFFC400  }
0x4c: {  	[spmem:s3] =	stream.indirect.scatter.add.f32 [tilespmem:s22], [sflag:$0x3], $0x80, s18, s21, $0xb8;
	[tilespmem:$0x17E00] =	vst v63  }
0x4d: {  	s30 =	sadd.s32 s7, s30;
	_ =	swait.ge [sflag:s17], $0x3C00  }
0x4e: {  	s29 =	sor.u32 s29, s30;
	[sflag:s17] =	ssyncset.done $0x0  }
0x4f: {  	s29 =	sshrl.u32 s29, $0x3;
	[sflag:s17] =	ssyncadd.s32 $0xFFFFC400  }
0x50: {  	s30 =	sadd.s32 s1, s29;
	s29 =	sadd.s32 s5, s29  }
0x51: {  	[tilespmem:s4], [sflag:$0x1] =	stream.linear.gather [hbm4b:s30+s4], $0x80, $0x38;
	[tilespmem:$0x17E00] =	vst v63  }
0x52: {  	_ = 	snop  }
0x53: {  	[tilespmem:s18], [sflag:$0x1] =	stream.linear.gather [hbm4b:s29+s4], $0x80, $0x38;
	[tilespmem:$0x17E00] =	vst v63  }
0x54: {  	_ =	swait.ge [sflag:s23], $0x80  }
0x55: {  	[sflag:s23] =	ssyncset.done $0x0  }
0x56: {  	[sflag:s23] =	ssyncadd.s32 $0xFFFFFF80  }
0x57: {  	_ =	swait.ge [sflag:s23], $0x80  }
0x58: {  	[sflag:s23] =	ssyncset.done $0x0  }
0x59: {  	[sflag:s23] =	ssyncadd.s32 $0xFFFFFF80  }
0x5a: {  	[tilespmem:s22], [sflag:$0x3] =	stream.indirect.gather [hbm4b:s6+s21], $0x80, s19, s21, $0xb8;
	[tilespmem:$0x17E00] =	vst v63  }
0x5b: {  	_ =	swait.ge [sflag:s17], $0x3C00  }
0x5c: {  	s29 =	sand.u32 $0x7C00, s28;
	[sflag:s17] =	ssyncset.done $0x0  }
0x5d: {  	s28 =	sand.u32 $0x380, s28;
	s29 =	sadd.s32 s7, s29;
	[sflag:s17] =	ssyncadd.s32 $0xFFFFC400  }
0x5e: {  	[spmem:s3] =	stream.indirect.scatter.add.f32 [tilespmem:s22], [sflag:$0x3], $0x80, s24, s21, $0xb8;
	[tilespmem:$0x17E00] =	vst v63  }
.Ltmp0:
0x5f: {  	_ = 	snop;
	(pc) =	sbr.rel @p0 .LBB2_2-.Ltmp0, $4  }
0x60: {  	s28 =	sor.u32 s28, s29;
	_ =	swait.ge [sflag:s17], $0x3C00  }
0x61: {  	s28 =	sshrl.u32 s28, $0x3;
	[sflag:s17] =	ssyncset.done $0x0  }
0x62: {  	s30 =	sadd.s32 s1, s28;
	s29 =	sadd.s32 s5, s28;
	[sflag:s17] =	ssyncadd.s32 $0xFFFFC400  }
0x63: {  	[tilespmem:s19], [sflag:$0x2] =	stream.linear.gather [hbm4b:s30+s4], $0x80, $0x38;
	[tilespmem:$0x17E00] =	vst v63  }
0x64: {  	[tilespmem:s24], [sflag:$0x2] =	stream.linear.gather [hbm4b:s29+s4], $0x80, $0x38;
	[tilespmem:$0x17E00] =	vst v63  }
0x65: {  	_ =	swait.ge [sflag:s20], $0x80  }
0x66: {  	[sflag:s20] =	ssyncset.done $0x0  }
0x67: {  	[sflag:s20] =	ssyncadd.s32 $0xFFFFFF80  }
0x68: {  	_ =	swait.ge [sflag:s20], $0x80  }
0x69: {  	[sflag:s20] =	ssyncset.done $0x0  }
0x6a: {  	[sflag:s20] =	ssyncadd.s32 $0xFFFFFF80  }
0x6b: {  	[tilespmem:s22], [sflag:$0x3] =	stream.indirect.gather [hbm4b:s6+s21], $0x80, s4, s21, $0xb8;
	[tilespmem:$0x17E00] =	vst v63  }
0x6c: {  	_ =	swait.ge [sflag:s17], $0x3C00  }
0x6d: {  	[sflag:s17] =	ssyncset.done $0x0  }
0x6e: {  	[sflag:s17] =	ssyncadd.s32 $0xFFFFC400  }
0x6f: {  	[spmem:s3] =	stream.indirect.scatter.add.f32 [tilespmem:s22], [sflag:$0x3], $0x80, s18, s21, $0xb8;
	[tilespmem:$0x17E00] =	vst v63  }
0x70: {  	_ =	swait.ge [sflag:s17], $0x3C00  }
0x71: {  	[sflag:s17] =	ssyncset.done $0x0  }
0x72: {  	[sflag:s17] =	ssyncadd.s32 $0xFFFFC400  }
0x73: {  	_ =	swait.ge [sflag:s23], $0x80  }
0x74: {  	[sflag:s23] =	ssyncset.done $0x0  }
0x75: {  	[sflag:s23] =	ssyncadd.s32 $0xFFFFFF80  }
0x76: {  	_ =	swait.ge [sflag:s23], $0x80  }
0x77: {  	[sflag:s23] =	ssyncset.done $0x0  }
0x78: {  	[sflag:s23] =	ssyncadd.s32 $0xFFFFFF80  }
0x79: {  	[tilespmem:s22], [sflag:$0x3] =	stream.indirect.gather [hbm4b:s6+s21], $0x80, s19, s21, $0xb8;
	[tilespmem:$0x17E00] =	vst v63  }
0x7a: {  	_ =	swait.ge [sflag:s17], $0x3C00  }
0x7b: {  	[sflag:s17] =	ssyncset.done $0x0  }
0x7c: {  	[sflag:s17] =	ssyncadd.s32 $0xFFFFC400  }
0x7d: {  	[spmem:s3] =	stream.indirect.scatter.add.f32 [tilespmem:s22], [sflag:$0x3], $0x80, s24, s21, $0xb8;
	[tilespmem:$0x17E00] =	vst v63  }
0x7e: {  	_ =	swait.ge [sflag:s17], $0x3C00  }
0x7f: {  	s25 =	sadd.s32 $0x1, s25;
	[sflag:s17] =	ssyncset.done $0x0  }
0x80: {  	p0 =	sne.s32 s25, s15;
	[sflag:s17] =	ssyncadd.s32 $0xFFFFC400  }
.Ltmp1:
0x81: {  	[bflag:$0x0] =	sbarrier.arrive $0xFFFF;
	(pc) =	sbr.rel @p0 .LBB2_1-.Ltmp1, $4  }
0x82: {  	[hbm:s14], [sflag:s9] =	dma.local [spmem:s16], $0x2800  }
0x83: {  	_ =	swait.ge [sflag:s17], $0x2800  }
0x84: {  	[sflag:s17] =	ssyncset.done $0x0  }
0x85: {  	[sflag:s17] =	ssyncadd.s32 $0xFFFFD800  }
0x86: {  	_ =	sfence.sel $0x180000  }
0x87: {  	[bflag:$0x0] =	sbarrier.arrive $0xFFFF  }
0x88: {  	p0 =	sne.s32 s2, $0x0;
	_ =	strace $0x9000004A  }
0x89: {  	s0 =	sadd.s32 @!p0 $0x100000, s0;
	[bflag:$0x2] =	sbarrier.arrive $0xFFFF  }
0x8a: {  	[sflag:s0] =	ssyncadd.tile.s32 @!p0 $0x1;
	_ =	shalt  }
.Lfunc_end2:
_tile_overlayer_lowered:
.L_overlay_start_2:
0x8b: {  	(tag) =	ssettag $0x2  }
0x8c: {  	s0 =	rddreg [dreg:$0x0];
	s2 =	stileid.u32  }
0x8d: {  	s1 =	rddreg [dreg:$0x1];
	p0 =	sne.s32 s2, $0x0  }
0x8e: {  	s3 =	rddreg [dreg:$0x2];
	[bflag:$0x3] =	sbarrier.arrive $0xFFFF;
	s2 =	simm.s32 @!p0 $0x1C03  }
0x8f: {  	[timem:s3], [sflag:s2] =	dma.local @!p0 [hbm:s0], s1  }
0x90: {  	s0 =	simm.s32 @!p0 $0x3  }
0x91: {  	_ =	swait.ge @!p0 [sflag:s0], s1  }
0x92: {  	s1 =	ssub.s32 @!p0 $0x0, s1;
	[sflag:s0] =	ssyncset.done @!p0 $0x0  }
0x93: {  	[sflag:s0] =	ssyncadd.s32 @!p0 s1  }
0x94: {  	[bflag:$0x3] =	sbarrier.arrive $0xFFFF  }
0x95: {  	_ =	shalt  }

</sc_bundles>
